<compile_context>
chip_gen: v7x
topology: tpu7x:2x2x1
jax: 0.10.2.dev20260603
libtpu: 0.0.44.dev20260713+nightly
codegen_flags: <defaults>
</compile_context>

<pallas_src>
import functools

import jax
import jax.numpy as jnp
import numpy as np
from jax import lax
from jax.experimental import pallas as pl
from jax.experimental.pallas import tpu as pltpu
from jax.experimental.pallas import tpu_sc as plsc

VOCAB = 1000000
EMB = 64
HID = 256
OUT = 2
BATCH = 4096
SEQ = 200

NC = 2
NS = 16
NW = NC * NS
B_PER_W = BATCH // NW
IDX_PER_W = B_PER_W * SEQ
CHUNK = 128
N_CHUNKS = IDX_PER_W // CHUNK

_DMAP = (
    (np.arange(IDX_PER_W) // SEQ).reshape(1, N_CHUNKS, CHUNK)
    + (np.arange(NS) * B_PER_W).reshape(NS, 1, 1)
).astype(np.int32)


@functools.partial(
    pl.kernel,
    out_type=jax.ShapeDtypeStruct((BATCH, EMB), jnp.float32),
    mesh=plsc.VectorSubcoreMesh(core_axis_name="c", subcore_axis_name="s"),
    scratch_types=[
        pltpu.VMEM((IDX_PER_W,), jnp.int32),
        pltpu.VMEM((N_CHUNKS, CHUNK), jnp.int32),
        pltpu.VMEM((8 * CHUNK, EMB), jnp.float32),
        pltpu.VMEM_SHARED((NS * B_PER_W, EMB), jnp.float32),
        pltpu.SemaphoreType.DMA,
    ],
    compiler_params=pltpu.CompilerParams(use_tc_tiling_on_sc=False),
)
def _pool(x_hbm, dmap_hbm, table_hbm, out_hbm, idx_v, dmap_v, gbuf_v, pooled_sh, sem):
    sid = lax.axis_index("s")
    wid = sid * NC + lax.axis_index("c")
    base = wid * IDX_PER_W

    pltpu.sync_copy(x_hbm.at[pl.ds(base, IDX_PER_W)], idx_v)
    pltpu.sync_copy(dmap_hbm.at[sid], dmap_v)

    zero16 = jnp.zeros((16,), jnp.float32)

    def _zero(i, carry):
        for k in range(EMB // 16):
            gbuf_v[i, pl.ds(k * 16, 16)] = zero16
        return carry

    lax.fori_loop(0, CHUNK, _zero, 0, unroll=4)
    pltpu.sync_copy(
        gbuf_v.at[pl.ds(0, CHUNK)], pooled_sh.at[pl.ds(sid * B_PER_W, B_PER_W)]
    )

    def _group(j, carry):
        idx_slice = idx_v.at[pl.ds(j * 8 * CHUNK, 8 * CHUNK)]
        pltpu.async_copy(table_hbm.at[idx_slice], gbuf_v, sem).wait()
        for t in range(8):
            pltpu.sync_copy(
                gbuf_v.at[pl.ds(t * CHUNK, CHUNK)],
                pooled_sh.at[dmap_v.at[8 * j + t]],
                add=True,
            )
        return carry

    lax.fori_loop(0, N_CHUNKS // 8, _group, 0)

    pltpu.sync_copy(
        pooled_sh.at[pl.ds(sid * B_PER_W, B_PER_W)],
        out_hbm.at[pl.ds(wid * B_PER_W, B_PER_W)],
    )


def _mlp_body(x_ref, w1_ref, b1_ref, w2_ref, b2_ref, o_ref):
    x = x_ref[...]
    h = jnp.dot(x, w1_ref[...], preferred_element_type=jnp.float32)
    h = jnp.maximum(h + b1_ref[...], 0.0)
    o_ref[...] = jnp.dot(h, w2_ref[...], preferred_element_type=jnp.float32) + b2_ref[...]


_OUT_PAD = 128
_MB = 512


def _mlp(pooled, W1, b1, W2p, b2p):
    return pl.pallas_call(
        _mlp_body,
        grid=(BATCH // _MB,),
        in_specs=[
            pl.BlockSpec((_MB, EMB), lambda i: (i, 0)),
            pl.BlockSpec((EMB, HID), lambda i: (0, 0)),
            pl.BlockSpec((1, HID), lambda i: (0, 0)),
            pl.BlockSpec((HID, _OUT_PAD), lambda i: (0, 0)),
            pl.BlockSpec((1, _OUT_PAD), lambda i: (0, 0)),
        ],
        out_specs=pl.BlockSpec((_MB, _OUT_PAD), lambda i: (i, 0)),
        out_shape=jax.ShapeDtypeStruct((BATCH, _OUT_PAD), jnp.float32),
    )(pooled, W1, b1, W2p, b2p)


def kernel(x_in, emb_table, W1, b1, W2, b2):
    x_flat = x_in.reshape(-1)
    emb_lin = lax.optimization_barrier(emb_table.reshape(-1))
    emb2 = emb_lin.reshape(VOCAB, EMB)
    pooled = _pool(x_flat, jnp.asarray(_DMAP), emb2)
    W2p = jnp.zeros((HID, _OUT_PAD), jnp.float32).at[:, :OUT].set(W2)
    b2p = jnp.zeros((1, _OUT_PAD), jnp.float32).at[:, :OUT].set(b2)
    y = _mlp(pooled, W1, b1.reshape(1, HID), W2p, b2p)
    return y[:, :OUT]

# --- scband reference (transcript-rebuilt; emitter-appended) ---
"""Pipeline reference for scband-sentiment-classifier-mlpwith-embeddings-25933012533269 (READ-ONLY COPY).

The authoritative reference and input builder live on the scoring server;
editing this copy changes nothing except your own understanding.
"""

import jax, jax.numpy as jnp
import numpy as np

VOCAB = 1000000
EMB = 64
HID = 256
OUT = 2
BATCH = 4096
SEQ = 200
PAD_IDX = 0


def setup_inputs(seed: int = 0) -> dict:
    key = jax.random.key(seed)
    k1, k2, k3, k4, k5, k6 = jax.random.split(key, 6)
    x_in = jax.random.randint(k1, (BATCH, SEQ), 0, VOCAB, dtype=jnp.int32)
    emb_table = jax.random.normal(k2, (VOCAB, EMB), dtype=jnp.float32)
    emb_table = emb_table.at[PAD_IDX].set(0.0)
    W1 = jax.random.normal(k3, (EMB, HID), dtype=jnp.float32) * (1.0 / np.sqrt(EMB))
    b1 = jax.random.normal(k4, (HID,), dtype=jnp.float32) * 0.01
    W2 = jax.random.normal(k5, (HID, OUT), dtype=jnp.float32) * (1.0 / np.sqrt(HID))
    b2 = jax.random.normal(k6, (OUT,), dtype=jnp.float32) * 0.01
    return {"x_in": x_in, "emb_table": emb_table, "W1": W1, "b1": b1, "W2": W2, "b2": b2}


def reference(x_in, emb_table, W1, b1, W2, b2):
    # nn.Embedding with padding_idx: row PAD_IDX is a fixed zero vector
    table = emb_table.at[PAD_IDX].set(0.0)
    x_embedded = jnp.take(table, x_in, axis=0)          # (B, S, EMB) gather
    x_embedded_sum = jnp.sum(x_embedded, axis=1)         # (B, EMB)
    y = x_embedded_sum @ W1 + b1
    y = jax.nn.relu(y)
    y = y @ W2 + b2
    return y

if __name__ == "__main__":
    import jax
    _d = setup_inputs()
    print(jax.jit(kernel)(*tuple(_d.values())))

</pallas_src>

<mosaic_0001>
#map = affine_map<(d0, d1) -> (0)>
#map1 = affine_map<(d0, d1) -> (0, 0, 0)>
#map2 = affine_map<(d0, d1) -> (0, 0)>
module attributes {stable_mosaic.version = 14 : i64} {
  func.func @_pool(%arg0: i32, %arg1: i32, %arg2: memref<819200xi32, #tpu.memory_space<hbm>>, %arg3: memref<16x200x128xi32, #tpu.memory_space<hbm>>, %arg4: memref<1000000x64xf32, #tpu.memory_space<hbm>>, %arg5: memref<4096x64xf32, #tpu.memory_space<hbm>>, %arg6: memref<25600xi32, #tpu.memory_space<vmem>>, %arg7: memref<200x128xi32, #tpu.memory_space<vmem>>, %arg8: memref<1024x64xf32, #tpu.memory_space<vmem>>, %arg9: memref<2048x64xf32, #tpu.memory_space<vmem_shared>>, %arg10: memref<!tpu.dma_semaphore, #tpu.memory_space<semaphore_mem>>) attributes {dimension_semantics = [#tpu.dimension_semantics<core_parallel>, #tpu.dimension_semantics<subcore_parallel>], iteration_bounds = array<i64: 2, 16>, scalar_prefetch = 0 : i64, scratch_operands = 5 : i64, tpu.core_type = #tpu.core_type<sc_vector_subcore>, window_params = [{transform_indices = #map}, {transform_indices = #map1}, {transform_indices = #map2}, {transform_indices = #map2}]} {
    %mul3A = arith.constant 2 : i32
    %mul3A_0 = arith.muli %arg1, %mul3A : i32
    %add3A = arith.addi %mul3A_0, %arg0 : i32
    %mul3A_1 = arith.constant 25600 : i32
    %mul3A_2 = arith.muli %add3A, %mul3A_1 : i32
    "tpu.region"() ({
      %run_scoped3A = tpu.sem_alloc : memref<!tpu.dma_semaphore, #tpu.memory_space<semaphore_mem>>
      %dma_start3A = tpu.memref_slice %arg2[%mul3A_2] : memref<819200xi32, #tpu.memory_space<hbm>> -> memref<25600xi32, #tpu.memory_space<hbm>>
      %dma_start3A_21 = tpu.memref_slice %arg2[%mul3A_2] : memref<819200xi32, #tpu.memory_space<hbm>> -> memref<25600xi32, #tpu.memory_space<hbm>>
      tpu.enqueue_dma source(%dma_start3A_21 : memref<25600xi32, #tpu.memory_space<hbm>>) target(%arg6 : memref<25600xi32, #tpu.memory_space<vmem>>) target_semaphore(%run_scoped3A : memref<!tpu.dma_semaphore, #tpu.memory_space<semaphore_mem>>)
      %dma_wait3A = tpu.memref_slice %arg2[%mul3A_2] : memref<819200xi32, #tpu.memory_space<hbm>> -> memref<25600xi32, #tpu.memory_space<hbm>>
      %dma_wait3A_22 = tpu.memref_slice %arg2[%mul3A_2] : memref<819200xi32, #tpu.memory_space<hbm>> -> memref<25600xi32, #tpu.memory_space<hbm>>
      tpu.wait_dma2 semaphore(%run_scoped3A : memref<!tpu.dma_semaphore, #tpu.memory_space<semaphore_mem>>) src(%dma_wait3A_22 : memref<25600xi32, #tpu.memory_space<hbm>>) dst(%arg6 : memref<25600xi32, #tpu.memory_space<vmem>>)
      tpu.yield
    }) : () -> ()
    "tpu.region"() ({
      %run_scoped3A = tpu.sem_alloc : memref<!tpu.dma_semaphore, #tpu.memory_space<semaphore_mem>>
      %dma_start3A = arith.constant 0 : i32
      %dma_start3A_21 = arith.constant 0 : i32
      %dma_start3A_22 = tpu.memref_slice %arg3[%arg1, %dma_start3A, %dma_start3A_21] : memref<16x200x128xi32, #tpu.memory_space<hbm>> -> memref<1x200x128xi32, #tpu.memory_space<hbm>>
      %dma_start3A_23 = tpu.memref_squeeze %dma_start3A_22 : memref<1x200x128xi32, #tpu.memory_space<hbm>> -> memref<200x128xi32, #tpu.memory_space<hbm>>
      %dma_start3A_24 = arith.constant 0 : i32
      %dma_start3A_25 = arith.constant 0 : i32
      %dma_start3A_26 = tpu.memref_slice %arg3[%arg1, %dma_start3A_24, %dma_start3A_25] : memref<16x200x128xi32, #tpu.memory_space<hbm>> -> memref<1x200x128xi32, #tpu.memory_space<hbm>>
      %dma_start3A_27 = tpu.memref_squeeze %dma_start3A_26 : memref<1x200x128xi32, #tpu.memory_space<hbm>> -> memref<200x128xi32, #tpu.memory_space<hbm>>
      tpu.enqueue_dma source(%dma_start3A_27 : memref<200x128xi32, #tpu.memory_space<hbm>>) target(%arg7 : memref<200x128xi32, #tpu.memory_space<vmem>>) target_semaphore(%run_scoped3A : memref<!tpu.dma_semaphore, #tpu.memory_space<semaphore_mem>>)
      %dma_wait3A = arith.constant 0 : i32
      %dma_wait3A_28 = arith.constant 0 : i32
      %dma_wait3A_29 = tpu.memref_slice %arg3[%arg1, %dma_wait3A, %dma_wait3A_28] : memref<16x200x128xi32, #tpu.memory_space<hbm>> -> memref<1x200x128xi32, #tpu.memory_space<hbm>>
      %dma_wait3A_30 = tpu.memref_squeeze %dma_wait3A_29 : memref<1x200x128xi32, #tpu.memory_space<hbm>> -> memref<200x128xi32, #tpu.memory_space<hbm>>
      %dma_wait3A_31 = arith.constant 0 : i32
      %dma_wait3A_32 = arith.constant 0 : i32
      %dma_wait3A_33 = tpu.memref_slice %arg3[%arg1, %dma_wait3A_31, %dma_wait3A_32] : memref<16x200x128xi32, #tpu.memory_space<hbm>> -> memref<1x200x128xi32, #tpu.memory_space<hbm>>
      %dma_wait3A_34 = tpu.memref_squeeze %dma_wait3A_33 : memref<1x200x128xi32, #tpu.memory_space<hbm>> -> memref<200x128xi32, #tpu.memory_space<hbm>>
      tpu.wait_dma2 semaphore(%run_scoped3A : memref<!tpu.dma_semaphore, #tpu.memory_space<semaphore_mem>>) src(%dma_wait3A_34 : memref<200x128xi32, #tpu.memory_space<hbm>>) dst(%arg7 : memref<200x128xi32, #tpu.memory_space<vmem>>)
      tpu.yield
    }) : () -> ()
    %broadcast_in_dim3A = arith.constant 0.000000e+00 : f32
    %broadcast_in_dim3A_3 = vector.broadcast %broadcast_in_dim3A : f32 to vector<16xf32>
    %scan3A = arith.constant 0 : i32
    %scan3A_4 = arith.constant 0 : i32
    %scan3A_5 = arith.constant 128 : i32
    %scan3A_6 = arith.addi %scan3A_4, %scan3A_5 : i32
    %scan3A_7 = arith.constant 4 : i32
    scf.for %scan3A_21 = %scan3A_4 to %scan3A_6 step %scan3A_7  : i32 {
      %swap3A = arith.index_cast %scan3A_21 : i32 to index
      %swap3A_22 = arith.constant 0 : index
      %swap3A_23 = tpu.vector_load %arg8[%swap3A, %swap3A_22] {strides = array<i32>} : memref<1024x64xf32, #tpu.memory_space<vmem>>, vector<1x16xf32>,
      %swap3A_24 = vector.shape_cast %swap3A_23 : vector<1x16xf32> to vector<16xf32>
      %swap3A_25 = vector.shape_cast %broadcast_in_dim3A_3 : vector<16xf32> to vector<1x16xf32>
      tpu.vector_store %arg8[%swap3A, %swap3A_22], %swap3A_25 {strides = array<i32>} : memref<1024x64xf32, #tpu.memory_space<vmem>>, vector<1x16xf32>,
      %swap3A_26 = arith.index_cast %scan3A_21 : i32 to index
      %swap3A_27 = arith.constant 16 : index
      %swap3A_28 = tpu.vector_load %arg8[%swap3A_26, %swap3A_27] {strides = array<i32>} : memref<1024x64xf32, #tpu.memory_space<vmem>>, vector<1x16xf32>,
      %swap3A_29 = vector.shape_cast %swap3A_28 : vector<1x16xf32> to vector<16xf32>
      %swap3A_30 = vector.shape_cast %broadcast_in_dim3A_3 : vector<16xf32> to vector<1x16xf32>
      tpu.vector_store %arg8[%swap3A_26, %swap3A_27], %swap3A_30 {strides = array<i32>} : memref<1024x64xf32, #tpu.memory_space<vmem>>, vector<1x16xf32>,
      %swap3A_31 = arith.index_cast %scan3A_21 : i32 to index
      %swap3A_32 = arith.constant 32 : index
      %swap3A_33 = tpu.vector_load %arg8[%swap3A_31, %swap3A_32] {strides = array<i32>} : memref<1024x64xf32, #tpu.memory_space<vmem>>, vector<1x16xf32>,
      %swap3A_34 = vector.shape_cast %swap3A_33 : vector<1x16xf32> to vector<16xf32>
      %swap3A_35 = vector.shape_cast %broadcast_in_dim3A_3 : vector<16xf32> to vector<1x16xf32>
      tpu.vector_store %arg8[%swap3A_31, %swap3A_32], %swap3A_35 {strides = array<i32>} : memref<1024x64xf32, #tpu.memory_space<vmem>>, vector<1x16xf32>,
      %swap3A_36 = arith.index_cast %scan3A_21 : i32 to index
      %swap3A_37 = arith.constant 48 : index
      %swap3A_38 = tpu.vector_load %arg8[%swap3A_36, %swap3A_37] {strides = array<i32>} : memref<1024x64xf32, #tpu.memory_space<vmem>>, vector<1x16xf32>,
      %swap3A_39 = vector.shape_cast %swap3A_38 : vector<1x16xf32> to vector<16xf32>
      %swap3A_40 = vector.shape_cast %broadcast_in_dim3A_3 : vector<16xf32> to vector<1x16xf32>
      tpu.vector_store %arg8[%swap3A_36, %swap3A_37], %swap3A_40 {strides = array<i32>} : memref<1024x64xf32, #tpu.memory_space<vmem>>, vector<1x16xf32>,
      %scan3A_41 = arith.constant 1 : i32
      %scan3A_42 = arith.addi %scan3A_21, %scan3A_41 : i32
      %swap3A_43 = arith.index_cast %scan3A_42 : i32 to index
      %swap3A_44 = arith.constant 0 : index
      %swap3A_45 = tpu.vector_load %arg8[%swap3A_43, %swap3A_44] {strides = array<i32>} : memref<1024x64xf32, #tpu.memory_space<vmem>>, vector<1x16xf32>,
      %swap3A_46 = vector.shape_cast %swap3A_45 : vector<1x16xf32> to vector<16xf32>
      %swap3A_47 = vector.shape_cast %broadcast_in_dim3A_3 : vector<16xf32> to vector<1x16xf32>
      tpu.vector_store %arg8[%swap3A_43, %swap3A_44], %swap3A_47 {strides = array<i32>} : memref<1024x64xf32, #tpu.memory_space<vmem>>, vector<1x16xf32>,
      %swap3A_48 = arith.index_cast %scan3A_42 : i32 to index
      %swap3A_49 = arith.constant 16 : index
      %swap3A_50 = tpu.vector_load %arg8[%swap3A_48, %swap3A_49] {strides = array<i32>} : memref<1024x64xf32, #tpu.memory_space<vmem>>, vector<1x16xf32>,
      %swap3A_51 = vector.shape_cast %swap3A_50 : vector<1x16xf32> to vector<16xf32>
      %swap3A_52 = vector.shape_cast %broadcast_in_dim3A_3 : vector<16xf32> to vector<1x16xf32>
      tpu.vector_store %arg8[%swap3A_48, %swap3A_49], %swap3A_52 {strides = array<i32>} : memref<1024x64xf32, #tpu.memory_space<vmem>>, vector<1x16xf32>,
      %swap3A_53 = arith.index_cast %scan3A_42 : i32 to index
      %swap3A_54 = arith.constant 32 : index
      %swap3A_55 = tpu.vector_load %arg8[%swap3A_53, %swap3A_54] {strides = array<i32>} : memref<1024x64xf32, #tpu.memory_space<vmem>>, vector<1x16xf32>,
      %swap3A_56 = vector.shape_cast %swap3A_55 : vector<1x16xf32> to vector<16xf32>
      %swap3A_57 = vector.shape_cast %broadcast_in_dim3A_3 : vector<16xf32> to vector<1x16xf32>
      tpu.vector_store %arg8[%swap3A_53, %swap3A_54], %swap3A_57 {strides = array<i32>} : memref<1024x64xf32, #tpu.memory_space<vmem>>, vector<1x16xf32>,
      %swap3A_58 = arith.index_cast %scan3A_42 : i32 to index
      %swap3A_59 = arith.constant 48 : index
      %swap3A_60 = tpu.vector_load %arg8[%swap3A_58, %swap3A_59] {strides = array<i32>} : memref<1024x64xf32, #tpu.memory_space<vmem>>, vector<1x16xf32>,
      %swap3A_61 = vector.shape_cast %swap3A_60 : vector<1x16xf32> to vector<16xf32>
      %swap3A_62 = vector.shape_cast %broadcast_in_dim3A_3 : vector<16xf32> to vector<1x16xf32>
      tpu.vector_store %arg8[%swap3A_58, %swap3A_59], %swap3A_62 {strides = array<i32>} : memref<1024x64xf32, #tpu.memory_space<vmem>>, vector<1x16xf32>,
      %scan3A_63 = arith.constant 2 : i32
      %scan3A_64 = arith.addi %scan3A_21, %scan3A_63 : i32
      %swap3A_65 = arith.index_cast %scan3A_64 : i32 to index
      %swap3A_66 = arith.constant 0 : index
      %swap3A_67 = tpu.vector_load %arg8[%swap3A_65, %swap3A_66] {strides = array<i32>} : memref<1024x64xf32, #tpu.memory_space<vmem>>, vector<1x16xf32>,
      %swap3A_68 = vector.shape_cast %swap3A_67 : vector<1x16xf32> to vector<16xf32>
      %swap3A_69 = vector.shape_cast %broadcast_in_dim3A_3 : vector<16xf32> to vector<1x16xf32>
      tpu.vector_store %arg8[%swap3A_65, %swap3A_66], %swap3A_69 {strides = array<i32>} : memref<1024x64xf32, #tpu.memory_space<vmem>>, vector<1x16xf32>,
      %swap3A_70 = arith.index_cast %scan3A_64 : i32 to index
      %swap3A_71 = arith.constant 16 : index
      %swap3A_72 = tpu.vector_load %arg8[%swap3A_70, %swap3A_71] {strides = array<i32>} : memref<1024x64xf32, #tpu.memory_space<vmem>>, vector<1x16xf32>,
      %swap3A_73 = vector.shape_cast %swap3A_72 : vector<1x16xf32> to vector<16xf32>
      %swap3A_74 = vector.shape_cast %broadcast_in_dim3A_3 : vector<16xf32> to vector<1x16xf32>
      tpu.vector_store %arg8[%swap3A_70, %swap3A_71], %swap3A_74 {strides = array<i32>} : memref<1024x64xf32, #tpu.memory_space<vmem>>, vector<1x16xf32>,
      %swap3A_75 = arith.index_cast %scan3A_64 : i32 to index
      %swap3A_76 = arith.constant 32 : index
      %swap3A_77 = tpu.vector_load %arg8[%swap3A_75, %swap3A_76] {strides = array<i32>} : memref<1024x64xf32, #tpu.memory_space<vmem>>, vector<1x16xf32>,
      %swap3A_78 = vector.shape_cast %swap3A_77 : vector<1x16xf32> to vector<16xf32>
      %swap3A_79 = vector.shape_cast %broadcast_in_dim3A_3 : vector<16xf32> to vector<1x16xf32>
      tpu.vector_store %arg8[%swap3A_75, %swap3A_76], %swap3A_79 {strides = array<i32>} : memref<1024x64xf32, #tpu.memory_space<vmem>>, vector<1x16xf32>,
      %swap3A_80 = arith.index_cast %scan3A_64 : i32 to index
      %swap3A_81 = arith.constant 48 : index
      %swap3A_82 = tpu.vector_load %arg8[%swap3A_80, %swap3A_81] {strides = array<i32>} : memref<1024x64xf32, #tpu.memory_space<vmem>>, vector<1x16xf32>,
      %swap3A_83 = vector.shape_cast %swap3A_82 : vector<1x16xf32> to vector<16xf32>
      %swap3A_84 = vector.shape_cast %broadcast_in_dim3A_3 : vector<16xf32> to vector<1x16xf32>
      tpu.vector_store %arg8[%swap3A_80, %swap3A_81], %swap3A_84 {strides = array<i32>} : memref<1024x64xf32, #tpu.memory_space<vmem>>, vector<1x16xf32>,
      %scan3A_85 = arith.constant 3 : i32
      %scan3A_86 = arith.addi %scan3A_21, %scan3A_85 : i32
      %swap3A_87 = arith.index_cast %scan3A_86 : i32 to index
      %swap3A_88 = arith.constant 0 : index
      %swap3A_89 = tpu.vector_load %arg8[%swap3A_87, %swap3A_88] {strides = array<i32>} : memref<1024x64xf32, #tpu.memory_space<vmem>>, vector<1x16xf32>,
      %swap3A_90 = vector.shape_cast %swap3A_89 : vector<1x16xf32> to vector<16xf32>
      %swap3A_91 = vector.shape_cast %broadcast_in_dim3A_3 : vector<16xf32> to vector<1x16xf32>
      tpu.vector_store %arg8[%swap3A_87, %swap3A_88], %swap3A_91 {strides = array<i32>} : memref<1024x64xf32, #tpu.memory_space<vmem>>, vector<1x16xf32>,
      %swap3A_92 = arith.index_cast %scan3A_86 : i32 to index
      %swap3A_93 = arith.constant 16 : index
      %swap3A_94 = tpu.vector_load %arg8[%swap3A_92, %swap3A_93] {strides = array<i32>} : memref<1024x64xf32, #tpu.memory_space<vmem>>, vector<1x16xf32>,
      %swap3A_95 = vector.shape_cast %swap3A_94 : vector<1x16xf32> to vector<16xf32>
      %swap3A_96 = vector.shape_cast %broadcast_in_dim3A_3 : vector<16xf32> to vector<1x16xf32>
      tpu.vector_store %arg8[%swap3A_92, %swap3A_93], %swap3A_96 {strides = array<i32>} : memref<1024x64xf32, #tpu.memory_space<vmem>>, vector<1x16xf32>,
      %swap3A_97 = arith.index_cast %scan3A_86 : i32 to index
      %swap3A_98 = arith.constant 32 : index
      %swap3A_99 = tpu.vector_load %arg8[%swap3A_97, %swap3A_98] {strides = array<i32>} : memref<1024x64xf32, #tpu.memory_space<vmem>>, vector<1x16xf32>,
      %swap3A_100 = vector.shape_cast %swap3A_99 : vector<1x16xf32> to vector<16xf32>
      %swap3A_101 = vector.shape_cast %broadcast_in_dim3A_3 : vector<16xf32> to vector<1x16xf32>
      tpu.vector_store %arg8[%swap3A_97, %swap3A_98], %swap3A_101 {strides = array<i32>} : memref<1024x64xf32, #tpu.memory_space<vmem>>, vector<1x16xf32>,
      %swap3A_102 = arith.index_cast %scan3A_86 : i32 to index
      %swap3A_103 = arith.constant 48 : index
      %swap3A_104 = tpu.vector_load %arg8[%swap3A_102, %swap3A_103] {strides = array<i32>} : memref<1024x64xf32, #tpu.memory_space<vmem>>, vector<1x16xf32>,
      %swap3A_105 = vector.shape_cast %swap3A_104 : vector<1x16xf32> to vector<16xf32>
      %swap3A_106 = vector.shape_cast %broadcast_in_dim3A_3 : vector<16xf32> to vector<1x16xf32>
      tpu.vector_store %arg8[%swap3A_102, %swap3A_103], %swap3A_106 {strides = array<i32>} : memref<1024x64xf32, #tpu.memory_space<vmem>>, vector<1x16xf32>,
    }
    %scan3A_8 = arith.constant 128 : i32
    %mul3A_9 = arith.constant 128 : i32
    %mul3A_10 = arith.muli %arg1, %mul3A_9 : i32
    "tpu.region"() ({
      %run_scoped3A = tpu.sem_alloc : memref<!tpu.dma_semaphore, #tpu.memory_space<semaphore_mem>>
      %dma_start3A = arith.constant 0 : i32
      %dma_start3A_21 = arith.constant 0 : i32
      %dma_start3A_22 = tpu.memref_slice %arg8[%dma_start3A, %dma_start3A_21] : memref<1024x64xf32, #tpu.memory_space<vmem>> -> memref<128x64xf32, #tpu.memory_space<vmem>>
      %dma_start3A_23 = arith.constant 0 : i32
      %dma_start3A_24 = tpu.memref_slice %arg9[%mul3A_10, %dma_start3A_23] : memref<2048x64xf32, #tpu.memory_space<vmem_shared>> -> memref<128x64xf32, #tpu.memory_space<vmem_shared>>
      %dma_start3A_25 = arith.constant 0 : i32
      %dma_start3A_26 = tpu.memref_slice %arg9[%mul3A_10, %dma_start3A_25] : memref<2048x64xf32, #tpu.memory_space<vmem_shared>> -> memref<128x64xf32, #tpu.memory_space<vmem_shared>>
      %dma_start3A_27 = arith.constant 0 : i32
      %dma_start3A_28 = arith.constant 0 : i32
      %dma_start3A_29 = tpu.memref_slice %arg8[%dma_start3A_27, %dma_start3A_28] : memref<1024x64xf32, #tpu.memory_space<vmem>> -> memref<128x64xf32, #tpu.memory_space<vmem>>
      tpu.enqueue_dma source(%dma_start3A_29 : memref<128x64xf32, #tpu.memory_space<vmem>>) target(%dma_start3A_26 : memref<128x64xf32, #tpu.memory_space<vmem_shared>>) target_semaphore(%run_scoped3A : memref<!tpu.dma_semaphore, #tpu.memory_space<semaphore_mem>>)
      %dma_wait3A = arith.constant 0 : i32
      %dma_wait3A_30 = arith.constant 0 : i32
      %dma_wait3A_31 = tpu.memref_slice %arg8[%dma_wait3A, %dma_wait3A_30] : memref<1024x64xf32, #tpu.memory_space<vmem>> -> memref<128x64xf32, #tpu.memory_space<vmem>>
      %dma_wait3A_32 = arith.constant 0 : i32
      %dma_wait3A_33 = tpu.memref_slice %arg9[%mul3A_10, %dma_wait3A_32] : memref<2048x64xf32, #tpu.memory_space<vmem_shared>> -> memref<128x64xf32, #tpu.memory_space<vmem_shared>>
      %dma_wait3A_34 = arith.constant 0 : i32
      %dma_wait3A_35 = tpu.memref_slice %arg9[%mul3A_10, %dma_wait3A_34] : memref<2048x64xf32, #tpu.memory_space<vmem_shared>> -> memref<128x64xf32, #tpu.memory_space<vmem_shared>>
      %dma_wait3A_36 = arith.constant 0 : i32
      %dma_wait3A_37 = arith.constant 0 : i32
      %dma_wait3A_38 = tpu.memref_slice %arg8[%dma_wait3A_36, %dma_wait3A_37] : memref<1024x64xf32, #tpu.memory_space<vmem>> -> memref<128x64xf32, #tpu.memory_space<vmem>>
      tpu.wait_dma2 semaphore(%run_scoped3A : memref<!tpu.dma_semaphore, #tpu.memory_space<semaphore_mem>>) src(%dma_wait3A_38 : memref<128x64xf32, #tpu.memory_space<vmem>>) dst(%dma_wait3A_35 : memref<128x64xf32, #tpu.memory_space<vmem_shared>>)
      tpu.yield
    }) : () -> ()
    %scan3A_11 = arith.constant 0 : i32
    %scan3A_12 = arith.constant 0 : i32
    %scan3A_13 = arith.constant 25 : i32
    %scan3A_14 = arith.addi %scan3A_12, %scan3A_13 : i32
    %scan3A_15 = arith.constant 1 : i32
    scf.for %scan3A_21 = %scan3A_12 to %scan3A_14 step %scan3A_15  : i32 {
      %mul3A_22 = arith.constant 8 : i32
      %mul3A_23 = arith.muli %scan3A_21, %mul3A_22 : i32
      %mul3A_24 = arith.constant 128 : i32
      %mul3A_25 = arith.muli %mul3A_23, %mul3A_24 : i32
      %dma_start3A = tpu.memref_slice %arg6[%mul3A_25] : memref<25600xi32, #tpu.memory_space<vmem>> -> memref<1024xi32, #tpu.memory_space<vmem>>
      %dma_start3A_26 = arith.constant 0 : i32
      %dma_start3A_27 = arith.constant 0 : i32
      %dma_start3A_28 = tpu.memref_slice %arg4[%dma_start3A_26, %dma_start3A_27] : memref<1000000x64xf32, #tpu.memory_space<hbm>> -> memref<1000000x64xf32, #tpu.memory_space<hbm>>
      tpu.enqueue_indirect_dma source(%dma_start3A_28 : memref<1000000x64xf32, #tpu.memory_space<hbm>>) target(%arg8 : memref<1024x64xf32, #tpu.memory_space<vmem>>) offsets(%dma_start3A : memref<1024xi32, #tpu.memory_space<vmem>>) semaphore(%arg10 : memref<!tpu.dma_semaphore, #tpu.memory_space<semaphore_mem>>)
      %dma_wait3A = tpu.memref_slice %arg6[%mul3A_25] : memref<25600xi32, #tpu.memory_space<vmem>> -> memref<1024xi32, #tpu.memory_space<vmem>>
      %dma_wait3A_29 = arith.constant 0 : i32
      %dma_wait3A_30 = arith.constant 0 : i32
      %dma_wait3A_31 = tpu.memref_slice %arg4[%dma_wait3A_29, %dma_wait3A_30] : memref<1000000x64xf32, #tpu.memory_space<hbm>> -> memref<1000000x64xf32, #tpu.memory_space<hbm>>
      tpu.wait_indirect_dma semaphore(%arg10 : memref<!tpu.dma_semaphore, #tpu.memory_space<semaphore_mem>>) src(%dma_wait3A_31 : memref<1000000x64xf32, #tpu.memory_space<hbm>>) dst(%arg8 : memref<1024x64xf32, #tpu.memory_space<vmem>>)
      %mul3A_32 = arith.constant 8 : i32
      %mul3A_33 = arith.muli %mul3A_32, %scan3A_21 : i32
      %add3A_34 = arith.constant 0 : i32
      %add3A_35 = arith.addi %mul3A_33, %add3A_34 : i32
      "tpu.region"() ({
        %run_scoped3A = tpu.sem_alloc : memref<!tpu.dma_semaphore, #tpu.memory_space<semaphore_mem>>
        %dma_start3A_64 = arith.constant 0 : i32
        %dma_start3A_65 = arith.constant 0 : i32
        %dma_start3A_66 = tpu.memref_slice %arg8[%dma_start3A_64, %dma_start3A_65] : memref<1024x64xf32, #tpu.memory_space<vmem>> -> memref<128x64xf32, #tpu.memory_space<vmem>>
        %dma_start3A_67 = arith.constant 0 : i32
        %dma_start3A_68 = tpu.memref_slice %arg7[%add3A_35, %dma_start3A_67] : memref<200x128xi32, #tpu.memory_space<vmem>> -> memref<1x128xi32, #tpu.memory_space<vmem>>
        %dma_start3A_69 = tpu.memref_squeeze %dma_start3A_68 : memref<1x128xi32, #tpu.memory_space<vmem>> -> memref<128xi32, #tpu.memory_space<vmem>>
        %dma_start3A_70 = arith.constant 0 : i32
        %dma_start3A_71 = arith.constant 0 : i32
        %dma_start3A_72 = tpu.memref_slice %arg9[%dma_start3A_70, %dma_start3A_71] : memref<2048x64xf32, #tpu.memory_space<vmem_shared>> -> memref<2048x64xf32, #tpu.memory_space<vmem_shared>>
        tpu.enqueue_indirect_dma source(%dma_start3A_66 : memref<128x64xf32, #tpu.memory_space<vmem>>) target(%dma_start3A_72 : memref<2048x64xf32, #tpu.memory_space<vmem_shared>>) offsets(%dma_start3A_69 : memref<128xi32, #tpu.memory_space<vmem>>) semaphore(%run_scoped3A : memref<!tpu.dma_semaphore, #tpu.memory_space<semaphore_mem>>) {add = true}
        %dma_wait3A_73 = arith.constant 0 : i32
        %dma_wait3A_74 = arith.constant 0 : i32
        %dma_wait3A_75 = tpu.memref_slice %arg8[%dma_wait3A_73, %dma_wait3A_74] : memref<1024x64xf32, #tpu.memory_space<vmem>> -> memref<128x64xf32, #tpu.memory_space<vmem>>
        %dma_wait3A_76 = arith.constant 0 : i32
        %dma_wait3A_77 = tpu.memref_slice %arg7[%add3A_35, %dma_wait3A_76] : memref<200x128xi32, #tpu.memory_space<vmem>> -> memref<1x128xi32, #tpu.memory_space<vmem>>
        %dma_wait3A_78 = tpu.memref_squeeze %dma_wait3A_77 : memref<1x128xi32, #tpu.memory_space<vmem>> -> memref<128xi32, #tpu.memory_space<vmem>>
        %dma_wait3A_79 = arith.constant 0 : i32
        %dma_wait3A_80 = arith.constant 0 : i32
        %dma_wait3A_81 = tpu.memref_slice %arg9[%dma_wait3A_79, %dma_wait3A_80] : memref<2048x64xf32, #tpu.memory_space<vmem_shared>> -> memref<2048x64xf32, #tpu.memory_space<vmem_shared>>
        tpu.wait_indirect_dma semaphore(%run_scoped3A : memref<!tpu.dma_semaphore, #tpu.memory_space<semaphore_mem>>) src(%dma_wait3A_75 : memref<128x64xf32, #tpu.memory_space<vmem>>) dst(%dma_wait3A_81 : memref<2048x64xf32, #tpu.memory_space<vmem_shared>>)
        tpu.yield
      }) : () -> ()
      %mul3A_36 = arith.constant 8 : i32
      %mul3A_37 = arith.muli %mul3A_36, %scan3A_21 : i32
      %add3A_38 = arith.constant 1 : i32
      %add3A_39 = arith.addi %mul3A_37, %add3A_38 : i32
      "tpu.region"() ({
        %run_scoped3A = tpu.sem_alloc : memref<!tpu.dma_semaphore, #tpu.memory_space<semaphore_mem>>
        %dma_start3A_64 = arith.constant 128 : i32
        %dma_start3A_65 = arith.constant 0 : i32
        %dma_start3A_66 = tpu.memref_slice %arg8[%dma_start3A_64, %dma_start3A_65] : memref<1024x64xf32, #tpu.memory_space<vmem>> -> memref<128x64xf32, #tpu.memory_space<vmem>>
        %dma_start3A_67 = arith.constant 0 : i32
        %dma_start3A_68 = tpu.memref_slice %arg7[%add3A_39, %dma_start3A_67] : memref<200x128xi32, #tpu.memory_space<vmem>> -> memref<1x128xi32, #tpu.memory_space<vmem>>
        %dma_start3A_69 = tpu.memref_squeeze %dma_start3A_68 : memref<1x128xi32, #tpu.memory_space<vmem>> -> memref<128xi32, #tpu.memory_space<vmem>>
        %dma_start3A_70 = arith.constant 0 : i32
        %dma_start3A_71 = arith.constant 0 : i32
        %dma_start3A_72 = tpu.memref_slice %arg9[%dma_start3A_70, %dma_start3A_71] : memref<2048x64xf32, #tpu.memory_space<vmem_shared>> -> memref<2048x64xf32, #tpu.memory_space<vmem_shared>>
        tpu.enqueue_indirect_dma source(%dma_start3A_66 : memref<128x64xf32, #tpu.memory_space<vmem>>) target(%dma_start3A_72 : memref<2048x64xf32, #tpu.memory_space<vmem_shared>>) offsets(%dma_start3A_69 : memref<128xi32, #tpu.memory_space<vmem>>) semaphore(%run_scoped3A : memref<!tpu.dma_semaphore, #tpu.memory_space<semaphore_mem>>) {add = true}
        %dma_wait3A_73 = arith.constant 128 : i32
        %dma_wait3A_74 = arith.constant 0 : i32
        %dma_wait3A_75 = tpu.memref_slice %arg8[%dma_wait3A_73, %dma_wait3A_74] : memref<1024x64xf32, #tpu.memory_space<vmem>> -> memref<128x64xf32, #tpu.memory_space<vmem>>
        %dma_wait3A_76 = arith.constant 0 : i32
        %dma_wait3A_77 = tpu.memref_slice %arg7[%add3A_39, %dma_wait3A_76] : memref<200x128xi32, #tpu.memory_space<vmem>> -> memref<1x128xi32, #tpu.memory_space<vmem>>
        %dma_wait3A_78 = tpu.memref_squeeze %dma_wait3A_77 : memref<1x128xi32, #tpu.memory_space<vmem>> -> memref<128xi32, #tpu.memory_space<vmem>>
        %dma_wait3A_79 = arith.constant 0 : i32
        %dma_wait3A_80 = arith.constant 0 : i32
        %dma_wait3A_81 = tpu.memref_slice %arg9[%dma_wait3A_79, %dma_wait3A_80] : memref<2048x64xf32, #tpu.memory_space<vmem_shared>> -> memref<2048x64xf32, #tpu.memory_space<vmem_shared>>
        tpu.wait_indirect_dma semaphore(%run_scoped3A : memref<!tpu.dma_semaphore, #tpu.memory_space<semaphore_mem>>) src(%dma_wait3A_75 : memref<128x64xf32, #tpu.memory_space<vmem>>) dst(%dma_wait3A_81 : memref<2048x64xf32, #tpu.memory_space<vmem_shared>>)
        tpu.yield
      }) : () -> ()
      %mul3A_40 = arith.constant 8 : i32
      %mul3A_41 = arith.muli %mul3A_40, %scan3A_21 : i32
      %add3A_42 = arith.constant 2 : i32
      %add3A_43 = arith.addi %mul3A_41, %add3A_42 : i32
      "tpu.region"() ({
        %run_scoped3A = tpu.sem_alloc : memref<!tpu.dma_semaphore, #tpu.memory_space<semaphore_mem>>
        %dma_start3A_64 = arith.constant 256 : i32
        %dma_start3A_65 = arith.constant 0 : i32
        %dma_start3A_66 = tpu.memref_slice %arg8[%dma_start3A_64, %dma_start3A_65] : memref<1024x64xf32, #tpu.memory_space<vmem>> -> memref<128x64xf32, #tpu.memory_space<vmem>>
        %dma_start3A_67 = arith.constant 0 : i32
        %dma_start3A_68 = tpu.memref_slice %arg7[%add3A_43, %dma_start3A_67] : memref<200x128xi32, #tpu.memory_space<vmem>> -> memref<1x128xi32, #tpu.memory_space<vmem>>
        %dma_start3A_69 = tpu.memref_squeeze %dma_start3A_68 : memref<1x128xi32, #tpu.memory_space<vmem>> -> memref<128xi32, #tpu.memory_space<vmem>>
        %dma_start3A_70 = arith.constant 0 : i32
        %dma_start3A_71 = arith.constant 0 : i32
        %dma_start3A_72 = tpu.memref_slice %arg9[%dma_start3A_70, %dma_start3A_71] : memref<2048x64xf32, #tpu.memory_space<vmem_shared>> -> memref<2048x64xf32, #tpu.memory_space<vmem_shared>>
        tpu.enqueue_indirect_dma source(%dma_start3A_66 : memref<128x64xf32, #tpu.memory_space<vmem>>) target(%dma_start3A_72 : memref<2048x64xf32, #tpu.memory_space<vmem_shared>>) offsets(%dma_start3A_69 : memref<128xi32, #tpu.memory_space<vmem>>) semaphore(%run_scoped3A : memref<!tpu.dma_semaphore, #tpu.memory_space<semaphore_mem>>) {add = true}
        %dma_wait3A_73 = arith.constant 256 : i32
        %dma_wait3A_74 = arith.constant 0 : i32
        %dma_wait3A_75 = tpu.memref_slice %arg8[%dma_wait3A_73, %dma_wait3A_74] : memref<1024x64xf32, #tpu.memory_space<vmem>> -> memref<128x64xf32, #tpu.memory_space<vmem>>
        %dma_wait3A_76 = arith.constant 0 : i32
        %dma_wait3A_77 = tpu.memref_slice %arg7[%add3A_43, %dma_wait3A_76] : memref<200x128xi32, #tpu.memory_space<vmem>> -> memref<1x128xi32, #tpu.memory_space<vmem>>
        %dma_wait3A_78 = tpu.memref_squeeze %dma_wait3A_77 : memref<1x128xi32, #tpu.memory_space<vmem>> -> memref<128xi32, #tpu.memory_space<vmem>>
        %dma_wait3A_79 = arith.constant 0 : i32
        %dma_wait3A_80 = arith.constant 0 : i32
        %dma_wait3A_81 = tpu.memref_slice %arg9[%dma_wait3A_79, %dma_wait3A_80] : memref<2048x64xf32, #tpu.memory_space<vmem_shared>> -> memref<2048x64xf32, #tpu.memory_space<vmem_shared>>
        tpu.wait_indirect_dma semaphore(%run_scoped3A : memref<!tpu.dma_semaphore, #tpu.memory_space<semaphore_mem>>) src(%dma_wait3A_75 : memref<128x64xf32, #tpu.memory_space<vmem>>) dst(%dma_wait3A_81 : memref<2048x64xf32, #tpu.memory_space<vmem_shared>>)
        tpu.yield
      }) : () -> ()
      %mul3A_44 = arith.constant 8 : i32
      %mul3A_45 = arith.muli %mul3A_44, %scan3A_21 : i32
      %add3A_46 = arith.constant 3 : i32
      %add3A_47 = arith.addi %mul3A_45, %add3A_46 : i32
      "tpu.region"() ({
        %run_scoped3A = tpu.sem_alloc : memref<!tpu.dma_semaphore, #tpu.memory_space<semaphore_mem>>
        %dma_start3A_64 = arith.constant 384 : i32
        %dma_start3A_65 = arith.constant 0 : i32
        %dma_start3A_66 = tpu.memref_slice %arg8[%dma_start3A_64, %dma_start3A_65] : memref<1024x64xf32, #tpu.memory_space<vmem>> -> memref<128x64xf32, #tpu.memory_space<vmem>>
        %dma_start3A_67 = arith.constant 0 : i32
        %dma_start3A_68 = tpu.memref_slice %arg7[%add3A_47, %dma_start3A_67] : memref<200x128xi32, #tpu.memory_space<vmem>> -> memref<1x128xi32, #tpu.memory_space<vmem>>
        %dma_start3A_69 = tpu.memref_squeeze %dma_start3A_68 : memref<1x128xi32, #tpu.memory_space<vmem>> -> memref<128xi32, #tpu.memory_space<vmem>>
        %dma_start3A_70 = arith.constant 0 : i32
        %dma_start3A_71 = arith.constant 0 : i32
        %dma_start3A_72 = tpu.memref_slice %arg9[%dma_start3A_70, %dma_start3A_71] : memref<2048x64xf32, #tpu.memory_space<vmem_shared>> -> memref<2048x64xf32, #tpu.memory_space<vmem_shared>>
        tpu.enqueue_indirect_dma source(%dma_start3A_66 : memref<128x64xf32, #tpu.memory_space<vmem>>) target(%dma_start3A_72 : memref<2048x64xf32, #tpu.memory_space<vmem_shared>>) offsets(%dma_start3A_69 : memref<128xi32, #tpu.memory_space<vmem>>) semaphore(%run_scoped3A : memref<!tpu.dma_semaphore, #tpu.memory_space<semaphore_mem>>) {add = true}
        %dma_wait3A_73 = arith.constant 384 : i32
        %dma_wait3A_74 = arith.constant 0 : i32
        %dma_wait3A_75 = tpu.memref_slice %arg8[%dma_wait3A_73, %dma_wait3A_74] : memref<1024x64xf32, #tpu.memory_space<vmem>> -> memref<128x64xf32, #tpu.memory_space<vmem>>
        %dma_wait3A_76 = arith.constant 0 : i32
        %dma_wait3A_77 = tpu.memref_slice %arg7[%add3A_47, %dma_wait3A_76] : memref<200x128xi32, #tpu.memory_space<vmem>> -> memref<1x128xi32, #tpu.memory_space<vmem>>
        %dma_wait3A_78 = tpu.memref_squeeze %dma_wait3A_77 : memref<1x128xi32, #tpu.memory_space<vmem>> -> memref<128xi32, #tpu.memory_space<vmem>>
        %dma_wait3A_79 = arith.constant 0 : i32
        %dma_wait3A_80 = arith.constant 0 : i32
        %dma_wait3A_81 = tpu.memref_slice %arg9[%dma_wait3A_79, %dma_wait3A_80] : memref<2048x64xf32, #tpu.memory_space<vmem_shared>> -> memref<2048x64xf32, #tpu.memory_space<vmem_shared>>
        tpu.wait_indirect_dma semaphore(%run_scoped3A : memref<!tpu.dma_semaphore, #tpu.memory_space<semaphore_mem>>) src(%dma_wait3A_75 : memref<128x64xf32, #tpu.memory_space<vmem>>) dst(%dma_wait3A_81 : memref<2048x64xf32, #tpu.memory_space<vmem_shared>>)
        tpu.yield
      }) : () -> ()
      %mul3A_48 = arith.constant 8 : i32
      %mul3A_49 = arith.muli %mul3A_48, %scan3A_21 : i32
      %add3A_50 = arith.constant 4 : i32
      %add3A_51 = arith.addi %mul3A_49, %add3A_50 : i32
      "tpu.region"() ({
        %run_scoped3A = tpu.sem_alloc : memref<!tpu.dma_semaphore, #tpu.memory_space<semaphore_mem>>
        %dma_start3A_64 = arith.constant 512 : i32
        %dma_start3A_65 = arith.constant 0 : i32
        %dma_start3A_66 = tpu.memref_slice %arg8[%dma_start3A_64, %dma_start3A_65] : memref<1024x64xf32, #tpu.memory_space<vmem>> -> memref<128x64xf32, #tpu.memory_space<vmem>>
        %dma_start3A_67 = arith.constant 0 : i32
        %dma_start3A_68 = tpu.memref_slice %arg7[%add3A_51, %dma_start3A_67] : memref<200x128xi32, #tpu.memory_space<vmem>> -> memref<1x128xi32, #tpu.memory_space<vmem>>
        %dma_start3A_69 = tpu.memref_squeeze %dma_start3A_68 : memref<1x128xi32, #tpu.memory_space<vmem>> -> memref<128xi32, #tpu.memory_space<vmem>>
        %dma_start3A_70 = arith.constant 0 : i32
        %dma_start3A_71 = arith.constant 0 : i32
        %dma_start3A_72 = tpu.memref_slice %arg9[%dma_start3A_70, %dma_start3A_71] : memref<2048x64xf32, #tpu.memory_space<vmem_shared>> -> memref<2048x64xf32, #tpu.memory_space<vmem_shared>>
        tpu.enqueue_indirect_dma source(%dma_start3A_66 : memref<128x64xf32, #tpu.memory_space<vmem>>) target(%dma_start3A_72 : memref<2048x64xf32, #tpu.memory_space<vmem_shared>>) offsets(%dma_start3A_69 : memref<128xi32, #tpu.memory_space<vmem>>) semaphore(%run_scoped3A : memref<!tpu.dma_semaphore, #tpu.memory_space<semaphore_mem>>) {add = true}
        %dma_wait3A_73 = arith.constant 512 : i32
        %dma_wait3A_74 = arith.constant 0 : i32
        %dma_wait3A_75 = tpu.memref_slice %arg8[%dma_wait3A_73, %dma_wait3A_74] : memref<1024x64xf32, #tpu.memory_space<vmem>> -> memref<128x64xf32, #tpu.memory_space<vmem>>
        %dma_wait3A_76 = arith.constant 0 : i32
        %dma_wait3A_77 = tpu.memref_slice %arg7[%add3A_51, %dma_wait3A_76] : memref<200x128xi32, #tpu.memory_space<vmem>> -> memref<1x128xi32, #tpu.memory_space<vmem>>
        %dma_wait3A_78 = tpu.memref_squeeze %dma_wait3A_77 : memref<1x128xi32, #tpu.memory_space<vmem>> -> memref<128xi32, #tpu.memory_space<vmem>>
        %dma_wait3A_79 = arith.constant 0 : i32
        %dma_wait3A_80 = arith.constant 0 : i32
        %dma_wait3A_81 = tpu.memref_slice %arg9[%dma_wait3A_79, %dma_wait3A_80] : memref<2048x64xf32, #tpu.memory_space<vmem_shared>> -> memref<2048x64xf32, #tpu.memory_space<vmem_shared>>
        tpu.wait_indirect_dma semaphore(%run_scoped3A : memref<!tpu.dma_semaphore, #tpu.memory_space<semaphore_mem>>) src(%dma_wait3A_75 : memref<128x64xf32, #tpu.memory_space<vmem>>) dst(%dma_wait3A_81 : memref<2048x64xf32, #tpu.memory_space<vmem_shared>>)
        tpu.yield
      }) : () -> ()
      %mul3A_52 = arith.constant 8 : i32
      %mul3A_53 = arith.muli %mul3A_52, %scan3A_21 : i32
      %add3A_54 = arith.constant 5 : i32
      %add3A_55 = arith.addi %mul3A_53, %add3A_54 : i32
      "tpu.region"() ({
        %run_scoped3A = tpu.sem_alloc : memref<!tpu.dma_semaphore, #tpu.memory_space<semaphore_mem>>
        %dma_start3A_64 = arith.constant 640 : i32
        %dma_start3A_65 = arith.constant 0 : i32
        %dma_start3A_66 = tpu.memref_slice %arg8[%dma_start3A_64, %dma_start3A_65] : memref<1024x64xf32, #tpu.memory_space<vmem>> -> memref<128x64xf32, #tpu.memory_space<vmem>>
        %dma_start3A_67 = arith.constant 0 : i32
        %dma_start3A_68 = tpu.memref_slice %arg7[%add3A_55, %dma_start3A_67] : memref<200x128xi32, #tpu.memory_space<vmem>> -> memref<1x128xi32, #tpu.memory_space<vmem>>
        %dma_start3A_69 = tpu.memref_squeeze %dma_start3A_68 : memref<1x128xi32, #tpu.memory_space<vmem>> -> memref<128xi32, #tpu.memory_space<vmem>>
        %dma_start3A_70 = arith.constant 0 : i32
        %dma_start3A_71 = arith.constant 0 : i32
        %dma_start3A_72 = tpu.memref_slice %arg9[%dma_start3A_70, %dma_start3A_71] : memref<2048x64xf32, #tpu.memory_space<vmem_shared>> -> memref<2048x64xf32, #tpu.memory_space<vmem_shared>>
        tpu.enqueue_indirect_dma source(%dma_start3A_66 : memref<128x64xf32, #tpu.memory_space<vmem>>) target(%dma_start3A_72 : memref<2048x64xf32, #tpu.memory_space<vmem_shared>>) offsets(%dma_start3A_69 : memref<128xi32, #tpu.memory_space<vmem>>) semaphore(%run_scoped3A : memref<!tpu.dma_semaphore, #tpu.memory_space<semaphore_mem>>) {add = true}
        %dma_wait3A_73 = arith.constant 640 : i32
        %dma_wait3A_74 = arith.constant 0 : i32
        %dma_wait3A_75 = tpu.memref_slice %arg8[%dma_wait3A_73, %dma_wait3A_74] : memref<1024x64xf32, #tpu.memory_space<vmem>> -> memref<128x64xf32, #tpu.memory_space<vmem>>
        %dma_wait3A_76 = arith.constant 0 : i32
        %dma_wait3A_77 = tpu.memref_slice %arg7[%add3A_55, %dma_wait3A_76] : memref<200x128xi32, #tpu.memory_space<vmem>> -> memref<1x128xi32, #tpu.memory_space<vmem>>
        %dma_wait3A_78 = tpu.memref_squeeze %dma_wait3A_77 : memref<1x128xi32, #tpu.memory_space<vmem>> -> memref<128xi32, #tpu.memory_space<vmem>>
        %dma_wait3A_79 = arith.constant 0 : i32
        %dma_wait3A_80 = arith.constant 0 : i32
        %dma_wait3A_81 = tpu.memref_slice %arg9[%dma_wait3A_79, %dma_wait3A_80] : memref<2048x64xf32, #tpu.memory_space<vmem_shared>> -> memref<2048x64xf32, #tpu.memory_space<vmem_shared>>
        tpu.wait_indirect_dma semaphore(%run_scoped3A : memref<!tpu.dma_semaphore, #tpu.memory_space<semaphore_mem>>) src(%dma_wait3A_75 : memref<128x64xf32, #tpu.memory_space<vmem>>) dst(%dma_wait3A_81 : memref<2048x64xf32, #tpu.memory_space<vmem_shared>>)
        tpu.yield
      }) : () -> ()
      %mul3A_56 = arith.constant 8 : i32
      %mul3A_57 = arith.muli %mul3A_56, %scan3A_21 : i32
      %add3A_58 = arith.constant 6 : i32
      %add3A_59 = arith.addi %mul3A_57, %add3A_58 : i32
      "tpu.region"() ({
        %run_scoped3A = tpu.sem_alloc : memref<!tpu.dma_semaphore, #tpu.memory_space<semaphore_mem>>
        %dma_start3A_64 = arith.constant 768 : i32
        %dma_start3A_65 = arith.constant 0 : i32
        %dma_start3A_66 = tpu.memref_slice %arg8[%dma_start3A_64, %dma_start3A_65] : memref<1024x64xf32, #tpu.memory_space<vmem>> -> memref<128x64xf32, #tpu.memory_space<vmem>>
        %dma_start3A_67 = arith.constant 0 : i32
        %dma_start3A_68 = tpu.memref_slice %arg7[%add3A_59, %dma_start3A_67] : memref<200x128xi32, #tpu.memory_space<vmem>> -> memref<1x128xi32, #tpu.memory_space<vmem>>
        %dma_start3A_69 = tpu.memref_squeeze %dma_start3A_68 : memref<1x128xi32, #tpu.memory_space<vmem>> -> memref<128xi32, #tpu.memory_space<vmem>>
        %dma_start3A_70 = arith.constant 0 : i32
        %dma_start3A_71 = arith.constant 0 : i32
        %dma_start3A_72 = tpu.memref_slice %arg9[%dma_start3A_70, %dma_start3A_71] : memref<2048x64xf32, #tpu.memory_space<vmem_shared>> -> memref<2048x64xf32, #tpu.memory_space<vmem_shared>>
        tpu.enqueue_indirect_dma source(%dma_start3A_66 : memref<128x64xf32, #tpu.memory_space<vmem>>) target(%dma_start3A_72 : memref<2048x64xf32, #tpu.memory_space<vmem_shared>>) offsets(%dma_start3A_69 : memref<128xi32, #tpu.memory_space<vmem>>) semaphore(%run_scoped3A : memref<!tpu.dma_semaphore, #tpu.memory_space<semaphore_mem>>) {add = true}
        %dma_wait3A_73 = arith.constant 768 : i32
        %dma_wait3A_74 = arith.constant 0 : i32
        %dma_wait3A_75 = tpu.memref_slice %arg8[%dma_wait3A_73, %dma_wait3A_74] : memref<1024x64xf32, #tpu.memory_space<vmem>> -> memref<128x64xf32, #tpu.memory_space<vmem>>
        %dma_wait3A_76 = arith.constant 0 : i32
        %dma_wait3A_77 = tpu.memref_slice %arg7[%add3A_59, %dma_wait3A_76] : memref<200x128xi32, #tpu.memory_space<vmem>> -> memref<1x128xi32, #tpu.memory_space<vmem>>
        %dma_wait3A_78 = tpu.memref_squeeze %dma_wait3A_77 : memref<1x128xi32, #tpu.memory_space<vmem>> -> memref<128xi32, #tpu.memory_space<vmem>>
        %dma_wait3A_79 = arith.constant 0 : i32
        %dma_wait3A_80 = arith.constant 0 : i32
        %dma_wait3A_81 = tpu.memref_slice %arg9[%dma_wait3A_79, %dma_wait3A_80] : memref<2048x64xf32, #tpu.memory_space<vmem_shared>> -> memref<2048x64xf32, #tpu.memory_space<vmem_shared>>
        tpu.wait_indirect_dma semaphore(%run_scoped3A : memref<!tpu.dma_semaphore, #tpu.memory_space<semaphore_mem>>) src(%dma_wait3A_75 : memref<128x64xf32, #tpu.memory_space<vmem>>) dst(%dma_wait3A_81 : memref<2048x64xf32, #tpu.memory_space<vmem_shared>>)
        tpu.yield
      }) : () -> ()
      %mul3A_60 = arith.constant 8 : i32
      %mul3A_61 = arith.muli %mul3A_60, %scan3A_21 : i32
      %add3A_62 = arith.constant 7 : i32
      %add3A_63 = arith.addi %mul3A_61, %add3A_62 : i32
      "tpu.region"() ({
        %run_scoped3A = tpu.sem_alloc : memref<!tpu.dma_semaphore, #tpu.memory_space<semaphore_mem>>
        %dma_start3A_64 = arith.constant 896 : i32
        %dma_start3A_65 = arith.constant 0 : i32
        %dma_start3A_66 = tpu.memref_slice %arg8[%dma_start3A_64, %dma_start3A_65] : memref<1024x64xf32, #tpu.memory_space<vmem>> -> memref<128x64xf32, #tpu.memory_space<vmem>>
        %dma_start3A_67 = arith.constant 0 : i32
        %dma_start3A_68 = tpu.memref_slice %arg7[%add3A_63, %dma_start3A_67] : memref<200x128xi32, #tpu.memory_space<vmem>> -> memref<1x128xi32, #tpu.memory_space<vmem>>
        %dma_start3A_69 = tpu.memref_squeeze %dma_start3A_68 : memref<1x128xi32, #tpu.memory_space<vmem>> -> memref<128xi32, #tpu.memory_space<vmem>>
        %dma_start3A_70 = arith.constant 0 : i32
        %dma_start3A_71 = arith.constant 0 : i32
        %dma_start3A_72 = tpu.memref_slice %arg9[%dma_start3A_70, %dma_start3A_71] : memref<2048x64xf32, #tpu.memory_space<vmem_shared>> -> memref<2048x64xf32, #tpu.memory_space<vmem_shared>>
        tpu.enqueue_indirect_dma source(%dma_start3A_66 : memref<128x64xf32, #tpu.memory_space<vmem>>) target(%dma_start3A_72 : memref<2048x64xf32, #tpu.memory_space<vmem_shared>>) offsets(%dma_start3A_69 : memref<128xi32, #tpu.memory_space<vmem>>) semaphore(%run_scoped3A : memref<!tpu.dma_semaphore, #tpu.memory_space<semaphore_mem>>) {add = true}
        %dma_wait3A_73 = arith.constant 896 : i32
        %dma_wait3A_74 = arith.constant 0 : i32
        %dma_wait3A_75 = tpu.memref_slice %arg8[%dma_wait3A_73, %dma_wait3A_74] : memref<1024x64xf32, #tpu.memory_space<vmem>> -> memref<128x64xf32, #tpu.memory_space<vmem>>
        %dma_wait3A_76 = arith.constant 0 : i32
        %dma_wait3A_77 = tpu.memref_slice %arg7[%add3A_63, %dma_wait3A_76] : memref<200x128xi32, #tpu.memory_space<vmem>> -> memref<1x128xi32, #tpu.memory_space<vmem>>
        %dma_wait3A_78 = tpu.memref_squeeze %dma_wait3A_77 : memref<1x128xi32, #tpu.memory_space<vmem>> -> memref<128xi32, #tpu.memory_space<vmem>>
        %dma_wait3A_79 = arith.constant 0 : i32
        %dma_wait3A_80 = arith.constant 0 : i32
        %dma_wait3A_81 = tpu.memref_slice %arg9[%dma_wait3A_79, %dma_wait3A_80] : memref<2048x64xf32, #tpu.memory_space<vmem_shared>> -> memref<2048x64xf32, #tpu.memory_space<vmem_shared>>
        tpu.wait_indirect_dma semaphore(%run_scoped3A : memref<!tpu.dma_semaphore, #tpu.memory_space<semaphore_mem>>) src(%dma_wait3A_75 : memref<128x64xf32, #tpu.memory_space<vmem>>) dst(%dma_wait3A_81 : memref<2048x64xf32, #tpu.memory_space<vmem_shared>>)
        tpu.yield
      }) : () -> ()
    }
    %scan3A_16 = arith.constant 25 : i32
    %mul3A_17 = arith.constant 128 : i32
    %mul3A_18 = arith.muli %arg1, %mul3A_17 : i32
    %mul3A_19 = arith.constant 128 : i32
    %mul3A_20 = arith.muli %add3A, %mul3A_19 : i32
    "tpu.region"() ({
      %run_scoped3A = tpu.sem_alloc : memref<!tpu.dma_semaphore, #tpu.memory_space<semaphore_mem>>
      %dma_start3A = arith.constant 0 : i32
      %dma_start3A_21 = tpu.memref_slice %arg5[%mul3A_20, %dma_start3A] : memref<4096x64xf32, #tpu.memory_space<hbm>> -> memref<128x64xf32, #tpu.memory_space<hbm>>
      %dma_start3A_22 = arith.constant 0 : i32
      %dma_start3A_23 = tpu.memref_slice %arg9[%mul3A_18, %dma_start3A_22] : memref<2048x64xf32, #tpu.memory_space<vmem_shared>> -> memref<128x64xf32, #tpu.memory_space<vmem_shared>>
      tpu.enqueue_dma source(%dma_start3A_23 : memref<128x64xf32, #tpu.memory_space<vmem_shared>>) target(%dma_start3A_21 : memref<128x64xf32, #tpu.memory_space<hbm>>) target_semaphore(%run_scoped3A : memref<!tpu.dma_semaphore, #tpu.memory_space<semaphore_mem>>)
      %dma_wait3A = arith.constant 0 : i32
      %dma_wait3A_24 = tpu.memref_slice %arg5[%mul3A_20, %dma_wait3A] : memref<4096x64xf32, #tpu.memory_space<hbm>> -> memref<128x64xf32, #tpu.memory_space<hbm>>
      %dma_wait3A_25 = arith.constant 0 : i32
      %dma_wait3A_26 = tpu.memref_slice %arg9[%mul3A_18, %dma_wait3A_25] : memref<2048x64xf32, #tpu.memory_space<vmem_shared>> -> memref<128x64xf32, #tpu.memory_space<vmem_shared>>
      tpu.wait_dma2 semaphore(%run_scoped3A : memref<!tpu.dma_semaphore, #tpu.memory_space<semaphore_mem>>) src(%dma_wait3A_26 : memref<128x64xf32, #tpu.memory_space<vmem_shared>>) dst(%dma_wait3A_24 : memref<128x64xf32, #tpu.memory_space<hbm>>)
      tpu.yield
    }) : () -> ()
    return
  }
}

module attributes {stable_mosaic.version = 14 : i64} {
  func.func @_mlp_body(%arg0: i32, %arg1: memref<512x64xf32, #tpu.memory_space<vmem>>, %arg2: memref<64x256xf32, #tpu.memory_space<vmem>>, %arg3: memref<1x256xf32, #tpu.memory_space<vmem>>, %arg4: memref<256x128xf32, #tpu.memory_space<vmem>>, %arg5: memref<1x128xf32, #tpu.memory_space<vmem>>, %arg6: memref<512x128xf32, #tpu.memory_space<vmem>>) attributes {dimension_semantics = [#tpu.dimension_semantics<arbitrary>], iteration_bounds = array<i64: 8>, scalar_prefetch = 0 : i64, scratch_operands = 0 : i64, tpu.core_type = #tpu.core_type<tc>, window_params = [{transform_indices = @transform_0, window_bounds = array<i64: 512, 64>}, {pipeline_mode = #tpu.pipeline_mode<synchronous>, transform_indices = @transform_1, window_bounds = array<i64: 64, 256>}, {pipeline_mode = #tpu.pipeline_mode<synchronous>, transform_indices = @transform_2, window_bounds = array<i64: 1, 256>}, {pipeline_mode = #tpu.pipeline_mode<synchronous>, transform_indices = @transform_3, window_bounds = array<i64: 256, 128>}, {pipeline_mode = #tpu.pipeline_mode<synchronous>, transform_indices = @transform_4, window_bounds = array<i64: 1, 128>}, {transform_indices = @transform_5, window_bounds = array<i64: 512, 128>}]} {
    %get3A = arith.constant 0 : index
    %get3A_0 = arith.constant 0 : index
    %get3A_1 = vector.load %arg1[%get3A, %get3A_0] : memref<512x64xf32, #tpu.memory_space<vmem>>, vector<512x64xf32>
    %get3A_2 = arith.constant 0 : index
    %get3A_3 = arith.constant 0 : index
    %get3A_4 = vector.load %arg2[%get3A_2, %get3A_3] : memref<64x256xf32, #tpu.memory_space<vmem>>, vector<64x256xf32>
    %dot_general3A = arith.constant dense<0.000000e+00> : vector<512x256xf32>
    %dot_general3A_5 = tpu.matmul %get3A_1, %get3A_4, %dot_general3A {dimension_numbers = #tpu.dot_dimension_numbers<[1], [0], [0], [1], [0, 0, 1, 1], [], []>, transpose_lhs_hint = false} : vector<512x64xf32>, vector<64x256xf32>, vector<512x256xf32> -> vector<512x256xf32>
    %get3A_6 = arith.constant 0 : index
    %get3A_7 = arith.constant 0 : index
    %get3A_8 = vector.load %arg3[%get3A_6, %get3A_7] : memref<1x256xf32, #tpu.memory_space<vmem>>, vector<1x256xf32>
    %add3A = vector.broadcast %get3A_8 : vector<1x256xf32> to vector<512x256xf32>
    %add3A_9 = arith.addf %dot_general3A_5, %add3A : vector<512x256xf32>
    %max3A = arith.constant 0.000000e+00 : f32
    %max3A_10 = vector.broadcast %max3A : f32 to vector<512x256xf32>
    %max3A_11 = arith.maximumf %add3A_9, %max3A_10 : vector<512x256xf32>
    %get3A_12 = arith.constant 0 : index
    %get3A_13 = arith.constant 0 : index
    %get3A_14 = vector.load %arg4[%get3A_12, %get3A_13] : memref<256x128xf32, #tpu.memory_space<vmem>>, vector<256x128xf32>
    %dot_general3A_15 = arith.constant dense<0.000000e+00> : vector<512x128xf32>
    %dot_general3A_16 = tpu.matmul %max3A_11, %get3A_14, %dot_general3A_15 {dimension_numbers = #tpu.dot_dimension_numbers<[1], [0], [0], [1], [0, 0, 1, 1], [], []>, transpose_lhs_hint = false} : vector<512x256xf32>, vector<256x128xf32>, vector<512x128xf32> -> vector<512x128xf32>
    %get3A_17 = arith.constant 0 : index
    %get3A_18 = arith.constant 0 : index
    %get3A_19 = vector.load %arg5[%get3A_17, %get3A_18] : memref<1x128xf32, #tpu.memory_space<vmem>>, vector<1x128xf32>
    %add3A_20 = vector.broadcast %get3A_19 : vector<1x128xf32> to vector<512x128xf32>
    %add3A_21 = arith.addf %dot_general3A_16, %add3A_20 : vector<512x128xf32>
    %swap3A = arith.constant 0 : index
    %swap3A_22 = arith.constant 0 : index
    %swap3A_23 = vector.load %arg6[%swap3A, %swap3A_22] : memref<512x128xf32, #tpu.memory_space<vmem>>, vector<512x128xf32>
    tpu.vector_store %arg6[%swap3A, %swap3A_22], %add3A_21 {strides = array<i32>} : memref<512x128xf32, #tpu.memory_space<vmem>>, vector<512x128xf32>,
    return
  }
  func.func @transform_0(%arg0: i32) -> (i32, i32) {
    %c0_i32 = arith.constant 0 : i32
    %c0_i32_0 = arith.constant 0 : i32
    return %arg0, %c0_i32 : i32, i32
  }
  func.func @transform_1(%arg0: i32) -> (i32, i32) {
    %c0_i32 = arith.constant 0 : i32
    %c0_i32_0 = arith.constant 0 : i32
    %c0_i32_1 = arith.constant 0 : i32
    return %c0_i32, %c0_i32_0 : i32, i32
  }
  func.func @transform_2(%arg0: i32) -> (i32, i32) {
    %c0_i32 = arith.constant 0 : i32
    %c0_i32_0 = arith.constant 0 : i32
    %c0_i32_1 = arith.constant 0 : i32
    return %c0_i32, %c0_i32_0 : i32, i32
  }
  func.func @transform_3(%arg0: i32) -> (i32, i32) {
    %c0_i32 = arith.constant 0 : i32
    %c0_i32_0 = arith.constant 0 : i32
    %c0_i32_1 = arith.constant 0 : i32
    return %c0_i32, %c0_i32_0 : i32, i32
  }
  func.func @transform_4(%arg0: i32) -> (i32, i32) {
    %c0_i32 = arith.constant 0 : i32
    %c0_i32_0 = arith.constant 0 : i32
    %c0_i32_1 = arith.constant 0 : i32
    return %c0_i32, %c0_i32_0 : i32, i32
  }
  func.func @transform_5(%arg0: i32) -> (i32, i32) {
    %c0_i32 = arith.constant 0 : i32
    %c0_i32_0 = arith.constant 0 : i32
    return %arg0, %c0_i32 : i32, i32
  }
}

</mosaic_0001>

<sc_bundles>
// kernel: kernel.4.cloned.1.call-start
scs
__scs_entry_jumppad:
0x0: {  	(pc) =	sbr.rel $0x88, $3  }
0x1: {  	(tag) =	ssettag $0x0;
	lr =	simm.s32 $0x1  }
0x2: {  	[smem:$0x3F9B] =	sst lr;
	_ =	strace $0xD0000000  }
0x3: {  	_ = 	snop  }
0x4: {  	_ = 	snop  }
0x5: {  	_ = 	snop  }
0x6: {  	_ = 	snop  }
0x7: {  	_ = 	snop  }
__scs_overlays_trampoline_lowered:
0x8: {  	[smem:$0x3FAA] =	sst s0  }
0x9: {  	[smem:$0x3FAB] =	sst s1  }
0xa: {  	[smem:$0x3FAC] =	sst s2  }
0xb: {  	[smem:$0x3FAD] =	sst s3  }
0xc: {  	[smem:$0x3FAE] =	sst s4  }
0xd: {  	[smem:$0x3FAF] =	sst s5  }
0xe: {  	[smem:$0x3FB0] =	sst s6  }
0xf: {  	[smem:$0x3FB1] =	sst s7  }
0x10: {  	[smem:$0x3FB2] =	sst s8  }
0x11: {  	[smem:$0x3FB3] =	sst s9;
	s0 =	simm.s32 @!p0 $0x0  }
0x12: {  	s1 =	sld [smem:$0x3F99];
	s0 =	simm.s32 @p0 $0x1  }
0x13: {  	[smem:$0x3FB4] =	sst s0;
	s0 =	simm.s32 @!p1 $0x0  }
0x14: {  	s2 =	sld [smem:$0x3F98];
	s0 =	simm.s32 @p1 $0x1  }
0x15: {  	[smem:$0x3FB5] =	sst s0;
	s0 =	simm.s32 @!p2 $0x0  }
0x16: {  	s3 =	sld [smem:$0x3FDB];
	s0 =	simm.s32 @p2 $0x1  }
0x17: {  	s4 =	simm.s32 $0x1BF5;
	[smem:$0x3FB7] =	sst s0  }
0x18: {  	s0 =	sld [smem:$0x3F9A];
	_ =	swait.ge [sflag:s4], $0x0  }
0x19: {  	s7 =	sld [smem:$0x3F9B]  }
0x1a: {  	s8 =	sadd.s32 $0xFFFFE003, lr  }
0x1b: {  	s9 =	sadd.s32 $0xFFFFFEF7, lr;
	s5 =	simm.s32 $0xFFFFFFFF;
	p2 =	slt.u32 s8, $0xFFFFF086  }
0x1c: {  	p1 =	slt.u32 s9, $0xF7A;
	s5 =	simm.s32 @!p2 $0x0  }
0x1d: {  	s5 =	simm.s32 @p1 $0x1;
	p0 =	seq.s32 s7, s2  }
0x1e: {  	s7 =	smul.u32 @!p0 $0xF7A, s2;
	p2 =	seq.s32 @!p0 s5, $0x0  }
0x1f: {  	s9 =	smul.u32 $0xF7A, s1;
	s8 =	simm.s32 @!p0 $0x1BF5;
	p2 =	por !p2, p0  }
0x20: {  	[sflag:s8] =	ssyncset.s32 @!p0 $0xFFFFF086;
	s6 =	sadd.s32 @!p0 s3, s7;
	s7 =	simm.s32 @!p0 $0x108  }
0x21: {  	s3 =	sadd.s32 s3, s9;
	s6 =	sadd.s32 @!p0 $0x88, s6;
	s7 =	simm.s32 @p2 $0x1082  }
0x22: {  	[simem:s7], [sflag:s8] =	dma.local @!p0 [hbm:s6], $0xF7A  }
0x23: {  	s9 =	sor.u32 $0xD0000000, s2;
	s6 =	simm.s32 $0x108;
	_ =	swait.ge @!p0 [sflag:s8], $0x0  }
0x24: {  	s3 =	sadd.s32 $0x88, s3;
	s6 =	simm.s32 @!p1 $0x1082;
	[sflag:s4] =	ssyncset.s32 $0xFFFFF086  }
0x25: {  	[simem:s6], [sflag:s4] =	dma.local [hbm:s3], $0xF7A  }
0x26: {  	[smem:$0x3F9B] =	sst s1;
	(tag) =	ssettag s2;
	_ =	strace s9  }
0x27: {  	s1 =	sld [smem:$0x3FAB]  }
0x28: {  	s2 =	sld [smem:$0x3FAC]  }
0x29: {  	s4 =	sld [smem:$0x3FAE]  }
0x2a: {  	p0 =	seq.s32 s5, $0x0;
	s5 =	sld [smem:$0x3FAF]  }
0x2b: {  	s6 =	sld [smem:$0x3FB0]  }
0x2c: {  	s7 =	sld [smem:$0x3FB1]  }
0x2d: {  	s3 =	simm.s32 $0x108;
	s8 =	sld [smem:$0x3FB2]  }
0x2e: {  	s3 =	simm.s32 @!p0 $0x1082;
	s9 =	sld [smem:$0x3FB3]  }
0x2f: {  	lr =	sadd.s32 s0, s3;
	s0 =	sld [smem:$0x3FAA]  }
0x30: {  	s3 =	sld [smem:$0x3FAD]  }
0x31: {  	[smem:$0x3FB6] =	sst s10  }
0x32: {  	s10 =	sld [smem:$0x3FB4];
	_ =	sdelay $0x3  }
0x33: {  	p0 =	seq.s32 s10, $0x1;
	s10 =	sld [smem:$0x3FB6];
	_ =	sdelay $0x3  }
0x34: {  	[smem:$0x3FB6] =	sst s10  }
0x35: {  	s10 =	sld [smem:$0x3FB5];
	_ =	sdelay $0x3  }
0x36: {  	p1 =	seq.s32 s10, $0x1;
	s10 =	sld [smem:$0x3FB6];
	_ =	sdelay $0x3  }
0x37: {  	[smem:$0x3FB6] =	sst s10  }
0x38: {  	s10 =	sld [smem:$0x3FB7]  }
0x39: {  	_ = 	snop;
	(pc) =	sbr.ind lr, $3  }
0x3a: {  	_ = 	snop  }
0x3b: {  	_ = 	snop  }
0x3c: {  	p2 =	seq.s32 s10, $0x1;
	s10 =	sld [smem:$0x3FB6]  }
0x3d: {  	_ =	shalt  }
0x3e: {  	_ =	shalt  }
0x3f: {  	_ =	shalt  }
0x40: {  	_ =	shalt  }
0x41: {  	_ =	shalt  }
0x42: {  	_ =	shalt  }
0x43: {  	_ =	shalt  }
0x44: {  	_ =	shalt  }
0x45: {  	_ =	shalt  }
0x46: {  	_ =	shalt  }
0x47: {  	_ =	shalt  }
0x48: {  	_ =	shalt  }
0x49: {  	_ =	shalt  }
0x4a: {  	_ =	shalt  }
0x4b: {  	_ =	shalt  }
0x4c: {  	_ =	shalt  }
0x4d: {  	_ =	shalt  }
0x4e: {  	_ =	shalt  }
0x4f: {  	_ =	shalt  }
0x50: {  	_ =	shalt  }
0x51: {  	_ =	shalt  }
0x52: {  	_ =	shalt  }
0x53: {  	_ =	shalt  }
0x54: {  	_ =	shalt  }
0x55: {  	_ =	shalt  }
0x56: {  	_ =	shalt  }
0x57: {  	_ =	shalt  }
0x58: {  	_ =	shalt  }
0x59: {  	_ =	shalt  }
0x5a: {  	_ =	shalt  }
0x5b: {  	_ =	shalt  }
0x5c: {  	_ =	shalt  }
0x5d: {  	_ =	shalt  }
0x5e: {  	_ =	shalt  }
0x5f: {  	_ =	shalt  }
0x60: {  	_ =	shalt  }
0x61: {  	_ =	shalt  }
0x62: {  	_ =	shalt  }
0x63: {  	_ =	shalt  }
0x64: {  	_ =	shalt  }
0x65: {  	_ =	shalt  }
0x66: {  	_ =	shalt  }
0x67: {  	_ =	shalt  }
0x68: {  	_ =	shalt  }
0x69: {  	_ =	shalt  }
0x6a: {  	_ =	shalt  }
0x6b: {  	_ =	shalt  }
0x6c: {  	_ =	shalt  }
0x6d: {  	_ =	shalt  }
0x6e: {  	_ =	shalt  }
0x6f: {  	_ =	shalt  }
0x70: {  	_ =	shalt  }
0x71: {  	_ =	shalt  }
0x72: {  	_ =	shalt  }
0x73: {  	_ =	shalt  }
0x74: {  	_ =	shalt  }
0x75: {  	_ =	shalt  }
0x76: {  	_ =	shalt  }
0x77: {  	_ =	shalt  }
0x78: {  	_ =	shalt  }
0x79: {  	_ =	shalt  }
0x7a: {  	_ =	shalt  }
0x7b: {  	_ =	shalt  }
0x7c: {  	_ =	shalt  }
0x7d: {  	_ =	shalt  }
0x7e: {  	_ =	shalt  }
0x7f: {  	_ =	shalt  }
0x80: {  	_ =	shalt  }
0x81: {  	_ =	shalt  }
0x82: {  	_ =	shalt  }
0x83: {  	_ =	shalt  }
0x84: {  	_ =	shalt  }
0x85: {  	_ =	shalt  }
0x86: {  	_ =	shalt  }
0x87: {  	_ =	shalt  }
.Lfunc_end0:
.L_simem_size_0:
called_computation_lowered:
.L_overlay_start_0:
0x88: {  	s2 =	sld [smem:$0x3FD9]  }
0x89: {  	s3 =	sld [smem:$0x3FFE];
	_ =	sdelay $0x1  }
0x8a: {  	s1 =	srdreg.scid  }
0x8b: {  	s0 =	sand.u32 $0x1, s1  }
0x8c: {  	s16 =	sshll.u32 s0, $0xA;
	s2 =	sadd.s32 s3, s2  }
0x8d: {  	s2 =	sadd.s32 s2, s16  }
0x8e: {  	[smem:$0x3FC2] =	sst s2  }
0x8f: {  	_ = 	snop  }
0x90: {  	(tm) =	ssettm $0x1  }
0x91: {  	s17 =	sld [smem:$0x3FFB];
	_ =	sdelay $0x3  }
0x92: {  	_ =	strace s17  }
0x93: {  	s2 =	sld [smem:$0x3FFC];
	_ =	sdelay $0x3  }
0x94: {  	_ =	strace s2  }
0x95: {  	s2 =	sld [smem:$0x3FFD];
	_ =	sdelay $0x3  }
0x96: {  	_ =	strace s2  }
0x97: {  	_ =	strace $0x8FFFFFFF  }
0x98: {  	s18 =	sld [smem:$0x3FDB];
	_ =	sdelay $0x1  }
0x99: {  	s19 =	simm.s32 $_scs_section_size  }
0x9a: {  	s4 =	simm.s32 $_size__tile_overlayer_lowered;
	s5 =	simm.s32 $_tile_overlayer_lowered  }
0x9b: {  	s22 =	simm.s32 $0x1BFF;
	s21 =	sshll.u32 s5, $0x1;
	s2 =	sadd.s32 s19, s18  }
0x9c: {  	s6 =	simm.s32 $0x0;
	s20 =	sshll.u32 s4, $0x1;
	s4 =	sadd.s32 s21, s2  }
0x9d: {  	[timem:s6], [sflag:s22] =	dma.local [hbm:s4], s20  }
0x9e: {  	_ =	swait.ge [sflag:s22], s20  }
0x9f: {  	s3 =	ssub.s32 $0x0, s20;
	[sflag:s22] =	ssyncset.done $0x0  }
0xa0: {  	[sflag:s22] =	ssyncadd.s32 s3;
	_ =	sdelay $0x1  }
0xa1: {  	s23 =	simm.s32 $0x1B8B  }
0xa2: {  	_ =	swait.ge [sflag:s23], $0x1  }
0xa3: {  	[sflag:s23] =	ssyncset.done $0x0  }
0xa4: {  	s25 =	simm.s32 $0x1B8E;
	s24 =	sld [smem:$0x3FFE];
	[sflag:s23] =	ssyncadd.s32 $0xFFFFFFFF  }
0xa5: {  	s26 =	simm.s32 $execute0_lowered;
	[smem:$0x3FD2] =	sst s25  }
0xa6: {  	s4 =	sshll.u32 s26, $0x1;
	_ =	strace $0x80000046;
	[dreg:$0x1] =	wrdreg $0xFFFFFFFF  }
0xa7: {  	s28 =	simm.s32 $_size_execute0_lowered;
	s2 =	sadd.s32 s2, s4;
	[dreg:$0x0] =	wrdreg $0x0  }
0xa8: {  	s4 =	sshll.u32 s28, $0x1;
	[dreg:$0x2] =	wrdreg s2  }
0xa9: {  	[dreg:$0x3] =	wrdreg s4  }
0xaa: {  	[dreg:$0x4] =	wrdreg $0xC0  }
0xab: {  	_ =	task [dreg:s6], $0x5FFFF  }
0xac: {  	[dreg:$0x1] =	wrdreg $0xFFFFFFFF  }
0xad: {  	[dreg:$0x0] =	wrdreg $0x60  }
0xae: {  	[dreg:$0x2] =	wrdreg s24  }
0xaf: {  	[dreg:$0x3] =	wrdreg $0x1C8000  }
0xb0: {  	[dreg:$0x4] =	wrdreg $0x9  }
0xb1: {  	_ =	task.clear_ibuf [dreg:s6], $0x5FFFF;
	_ =	strace $0x90000046  }
0xb2: {  	s29 =	simm.s32 $0x9;
	_ =	strace $0x80000048  }
0xb3: {  	_ =	swait.ge [sflag:s29], $0x1  }
0xb4: {  	[sflag:s29] =	ssyncadd.s32 $0xFFFFFFFF  }
0xb5: {  	_ =	strace $0x90000048  }
0xb6: {  	_ =	sfence  }
0xb7: {  	s30 =	sld [smem:$0x0];
	_ =	sdelay $0x2  }
0xb8: {  	s31 =	sshll.u32 s1, $0xD;
	s1 =	sshrl.u32 s1, $0x2  }
0xb9: {  	s3 =	sand.u32 $0x4000, s31;
	s1 =	sadd.s32 s1, s30  }
0xba: {  	s0 =	sor.u32 s3, s0;
	s1 =	sshll.u32 s1, $0x11  }
0xbb: {  	s0 =	sor.u32 s1, s0  }
0xbc: {  	s0 =	sadd.s32 $0x8F2B, s0  }
0xbd: {  	[sflag:s0] =	ssyncadd.remote.s32 $0x1  }
0xbe: {  	_ =	sfence.sel $0xFFFF  }
0xbf: {  	[dreg:$0x0] =	wrdreg $0xFFFFFFFF;
	(pc) =	sbr.abs _section_cstart, $3  }
0xc0: {  	[dreg:$0x1] =	wrdreg $0xFFFFFFFF  }
0xc1: {  	_ =	task.clear_ibuf [dreg:s6], $0x2FFFF;
	_ =	strace $0x9FFFFFFF  }
0xc2: {  	(tm) =	ssettm $0x7FFFFFFF  }
0xc3: {  	_ =	shalt  }
tec
execute0_lowered:
.L_overlay_start_1:
0x0: {  	(tag) =	ssettag $0x1  }
0x1: {  	s1 =	srdreg.scid;
	s5 =	rddreg [dreg:$0x0]  }
0x2: {  	s0 =	stileid.u32;
	s2 =	rddreg [dreg:$0x1]  }
0x3: {  	s3 =	simm.s32 $0x0;
	s12 =	simm.s32 $0xC800;
	s13 =	simm.s32 $0x400  }
0x4: {  	s14 =	simm.s32 $0x1;
	s15 =	simm.s32 $0x80;
	s16 =	simm.s32 $0xE800  }
0x5: {  	s17 =	simm.s32 $0x10800;
	s18 =	simm.s32 $0x12800;
	s19 =	simm.s32 $0x14800  }
0x6: {  	s20 =	simm.s32 $0x16800;
	s21 =	simm.s32 $0x18800;
	s22 =	simm.s32 $0x1A800  }
0x7: {  	s24 =	simm.s32 $0x0;
	s4 =	sand.u32 $0x1, s1;
	s1 =	rddreg [dreg:$0x2]  }
0x8: {  	s30 =	sshll.u32 s0, $0x1;
	[smem:$0x7FF] =	sst s3;
	s8 =	smul.u32 $0xC80, s0  }
0x9: {  	s31 =	sshll.u32 s0, $0xD;
	s23 =	sshll.u32 s0, $0x6;
	s6 =	sor.u32 s4, s30  }
0xa: {  	_ =	strace $0x80000047;
	s9 =	ssub.s32 $0x2, s4;
	s4 =	sadd.s32 $0xF43000, s5  }
0xb: {  	s23 =	sor.u32 $0x1C02, s23;
	s7 =	smul.u32 $0xC80, s6;
	s6 =	sshll.u32 s6, $0xA  }
0xc: {  	s8 =	sadd.s32 s8, s5;
	s10 =	sshrl.u32 s9, $0x1;
	s11 =	sadd.s32 s6, s5  }
0xd: {  	s9 =	ssub.s32 s9, s10;
	s6 =	sadd.s32 $0x19C00, s8;
	s10 =	simm.s32 $0x2  }
0xe: {  	s7 =	sadd.s32 s7, s5;
	s8 =	sadd.s32 $0x26400, s11;
	s9 =	smax.u32 s9, $0x1  }
0xf: {  	v0 =	vimm.f32 $0.0e+00;
	s11 =	simm.s32 $0x6400;
	s5 =	sadd.s32 $0xC00, s7;
	s7 =	sadd.s32 s31, s2  }
.LBB2_1:
0x10: {  	[tilespmem:s3], [sflag:$0x2] =	stream.linear.gather [hbm4b:s5+s3], $0x6400, $0x38;
	[tilespmem:$0x1E800] =	vst v63  }
0x11: {  	_ =	swait.ge [sflag:s10], $0x6400  }
0x12: {  	[sflag:s10] =	ssyncset.done $0x0  }
0x13: {  	[sflag:s10] =	ssyncadd.s32 $0xFFFF9C00  }
0x14: {  	[tilespmem:s11], [sflag:$0x2] =	stream.linear.gather [hbm4b:s6+s3], $0x6400, $0x38;
	[tilespmem:$0x1E800] =	vst v63  }
0x15: {  	_ =	swait.ge [sflag:s10], $0x6400  }
0x16: {  	[sflag:s10] =	ssyncset.done $0x0  }
0x17: {  	s25 =	simm.s32 $0xC880;
	[sflag:s10] =	ssyncadd.s32 $0xFFFF9C00  }
0x18: {  	[tilespmem:s25+$0xFFFFFF80] =	vst v0  }
0x19: {  	[tilespmem:s25+$0x70] =	vst v0  }
0x1a: {  	[tilespmem:s25+$0x60] =	vst v0  }
0x1b: {  	[tilespmem:s25+$0x50] =	vst v0  }
0x1c: {  	[tilespmem:s25+$0x40] =	vst v0  }
0x1d: {  	[tilespmem:s25+$0x30] =	vst v0  }
0x1e: {  	[tilespmem:s25+$0x20] =	vst v0  }
0x1f: {  	[tilespmem:s25+$0x10] =	vst v0  }
0x20: {  	[tilespmem:s25+$0x0] =	vst v0  }
0x21: {  	[tilespmem:s25+$0xFFFFFFF0] =	vst v0  }
0x22: {  	[tilespmem:s25+$0xFFFFFFE0] =	vst v0  }
0x23: {  	[tilespmem:s25+$0xFFFFFFD0] =	vst v0  }
0x24: {  	[tilespmem:s25+$0xFFFFFFC0] =	vst v0  }
0x25: {  	[tilespmem:s25+$0xFFFFFFB0] =	vst v0  }
0x26: {  	s26 =	simm.s32 $0x0;
	[tilespmem:s25+$0xFFFFFFA0] =	vst v0  }
.LBB2_2:
0x27: {  	s26 =	sadd.s32 $0x4, s26;
	[tilespmem:s25+$0xFFFFFF90] =	vst v0;
	s25 =	sadd.s32 $0x100, s25  }
0x28: {  	[tilespmem:s25+$0xFFFFFF80] =	vst v0;
	p0 =	slt.u32 s26, $0x7C  }
0x29: {  	[tilespmem:s25+$0x70] =	vst v0  }
0x2a: {  	[tilespmem:s25+$0x60] =	vst v0  }
0x2b: {  	[tilespmem:s25+$0x50] =	vst v0  }
0x2c: {  	[tilespmem:s25+$0x40] =	vst v0  }
0x2d: {  	[tilespmem:s25+$0x30] =	vst v0  }
0x2e: {  	[tilespmem:s25+$0x20] =	vst v0  }
0x2f: {  	[tilespmem:s25+$0x10] =	vst v0  }
0x30: {  	[tilespmem:s25+$0x0] =	vst v0  }
0x31: {  	[tilespmem:s25+$0xFFFFFFF0] =	vst v0  }
.Ltmp0:
0x32: {  	[tilespmem:s25+$0xFFFFFFE0] =	vst v0;
	(pc) =	sbr.rel @p0 .LBB2_2-.Ltmp0, $4  }
0x33: {  	[tilespmem:s25+$0xFFFFFFD0] =	vst v0  }
0x34: {  	[tilespmem:s25+$0xFFFFFFC0] =	vst v0  }
0x35: {  	[tilespmem:s25+$0xFFFFFFB0] =	vst v0  }
0x36: {  	[tilespmem:s25+$0xFFFFFFA0] =	vst v0  }
0x37: {  	[tilespmem:s25+$0xFFFFFF90] =	vst v0  }
0x38: {  	[spmem:s7] =	stream.linear.scatter [tilespmem:s12], [sflag:$0x2], $0x2000, $0x38;
	[tilespmem:$0x1E800] =	vst v63  }
0x39: {  	_ =	swait.ge [sflag:s10], $0x2000  }
0x3a: {  	[sflag:s10] =	ssyncset.done $0x0  }
0x3b: {  	s31 =	simm.s32 $0x0;
	[sflag:s10] =	ssyncadd.s32 $0xFFFFE000  }
0x3c: {  	[tilespmem:s12], [sflag:$0x1] =	stream.indirect.gather [hbm4b:s4+s13], $0x40, s31, s13, $0xb8;
	[tilespmem:$0x1E800] =	vst v63  }
0x3d: {  	_ =	swait.ge [sflag:s14], $0x10000  }
0x3e: {  	[sflag:s14] =	ssyncset.done $0x0  }
0x3f: {  	s26 =	simm.s32 $0x6400;
	[sflag:s14] =	ssyncadd.s32 $0xFFFF0000  }
0x40: {  	[spmem:s2] =	stream.indirect.scatter.add.f32 [tilespmem:s12], [sflag:$0x2], $0x40, s26, s15, $0xb8;
	[tilespmem:$0x1E800] =	vst v63  }
0x41: {  	_ =	swait.ge [sflag:s10], $0x2000  }
0x42: {  	[sflag:s10] =	ssyncset.done $0x0  }
0x43: {  	s28 =	simm.s32 $0x6480;
	[sflag:s10] =	ssyncadd.s32 $0xFFFFE000  }
0x44: {  	[spmem:s2] =	stream.indirect.scatter.add.f32 [tilespmem:s16], [sflag:$0x2], $0x40, s28, s15, $0xb8;
	[tilespmem:$0x1E800] =	vst v63  }
0x45: {  	_ =	swait.ge [sflag:s10], $0x2000  }
0x46: {  	[sflag:s10] =	ssyncset.done $0x0  }
0x47: {  	s30 =	simm.s32 $0x6500;
	[sflag:s10] =	ssyncadd.s32 $0xFFFFE000  }
0x48: {  	[spmem:s2] =	stream.indirect.scatter.add.f32 [tilespmem:s17], [sflag:$0x2], $0x40, s30, s15, $0xb8;
	[tilespmem:$0x1E800] =	vst v63  }
0x49: {  	_ =	swait.ge [sflag:s10], $0x2000  }
0x4a: {  	[sflag:s10] =	ssyncset.done $0x0  }
0x4b: {  	s31 =	simm.s32 $0x6580;
	[sflag:s10] =	ssyncadd.s32 $0xFFFFE000  }
0x4c: {  	[spmem:s2] =	stream.indirect.scatter.add.f32 [tilespmem:s18], [sflag:$0x2], $0x40, s31, s15, $0xb8;
	[tilespmem:$0x1E800] =	vst v63  }
0x4d: {  	_ =	swait.ge [sflag:s10], $0x2000  }
0x4e: {  	[sflag:s10] =	ssyncset.done $0x0  }
0x4f: {  	s26 =	simm.s32 $0x6600;
	[sflag:s10] =	ssyncadd.s32 $0xFFFFE000  }
0x50: {  	[spmem:s2] =	stream.indirect.scatter.add.f32 [tilespmem:s19], [sflag:$0x2], $0x40, s26, s15, $0xb8;
	[tilespmem:$0x1E800] =	vst v63  }
0x51: {  	_ =	swait.ge [sflag:s10], $0x2000  }
0x52: {  	[sflag:s10] =	ssyncset.done $0x0  }
0x53: {  	s28 =	simm.s32 $0x6680;
	[sflag:s10] =	ssyncadd.s32 $0xFFFFE000  }
0x54: {  	[spmem:s2] =	stream.indirect.scatter.add.f32 [tilespmem:s20], [sflag:$0x2], $0x40, s28, s15, $0xb8;
	[tilespmem:$0x1E800] =	vst v63  }
0x55: {  	_ =	swait.ge [sflag:s10], $0x2000  }
0x56: {  	[sflag:s10] =	ssyncset.done $0x0  }
0x57: {  	s30 =	simm.s32 $0x6700;
	[sflag:s10] =	ssyncadd.s32 $0xFFFFE000  }
0x58: {  	[spmem:s2] =	stream.indirect.scatter.add.f32 [tilespmem:s21], [sflag:$0x2], $0x40, s30, s15, $0xb8;
	[tilespmem:$0x1E800] =	vst v63  }
0x59: {  	_ =	swait.ge [sflag:s10], $0x2000  }
0x5a: {  	[sflag:s10] =	ssyncset.done $0x0  }
0x5b: {  	s31 =	simm.s32 $0x6780;
	[sflag:s10] =	ssyncadd.s32 $0xFFFFE000  }
0x5c: {  	[spmem:s2] =	stream.indirect.scatter.add.f32 [tilespmem:s22], [sflag:$0x2], $0x40, s31, s15, $0xb8;
	[tilespmem:$0x1E800] =	vst v63  }
0x5d: {  	_ =	swait.ge [sflag:s10], $0x2000  }
0x5e: {  	s25 =	simm.s32 $0x1000;
	s29 =	simm.s32 $0x2000;
	[sflag:s10] =	ssyncset.done $0x0  }
.LBB2_4:
0x5f: {  	s28 =	sshra.s32 s25, $0x2  }
0x60: {  	[sflag:s10] =	ssyncadd.s32 $0xFFFFE000;
	s25 =	smov.u32 s29;
	s26 =	sadd.s32 $0x1000, s29  }
0x61: {  	[tilespmem:s12], [sflag:$0x1] =	stream.indirect.gather [hbm4b:s4+s13], $0x40, s28, s13, $0xb8;
	[tilespmem:$0x1E800] =	vst v63  }
0x62: {  	p0 =	sne.s32 s29, $0x18000;
	_ =	swait.ge [sflag:s14], $0x10000  }
0x63: {  	[sflag:s14] =	ssyncset.done $0x0  }
0x64: {  	s29 =	sadd.s32 $0x6400, s28;
	[sflag:s14] =	ssyncadd.s32 $0xFFFF0000  }
0x65: {  	[spmem:s2] =	stream.indirect.scatter.add.f32 [tilespmem:s12], [sflag:$0x2], $0x40, s29, s15, $0xb8;
	[tilespmem:$0x1E800] =	vst v63  }
0x66: {  	_ =	swait.ge [sflag:s10], $0x2000  }
0x67: {  	[sflag:s10] =	ssyncset.done $0x0  }
0x68: {  	s29 =	sadd.s32 $0x6480, s28;
	[sflag:s10] =	ssyncadd.s32 $0xFFFFE000  }
0x69: {  	[spmem:s2] =	stream.indirect.scatter.add.f32 [tilespmem:s16], [sflag:$0x2], $0x40, s29, s15, $0xb8;
	[tilespmem:$0x1E800] =	vst v63  }
0x6a: {  	_ =	swait.ge [sflag:s10], $0x2000  }
0x6b: {  	[sflag:s10] =	ssyncset.done $0x0  }
0x6c: {  	s29 =	sadd.s32 $0x6500, s28;
	[sflag:s10] =	ssyncadd.s32 $0xFFFFE000  }
0x6d: {  	[spmem:s2] =	stream.indirect.scatter.add.f32 [tilespmem:s17], [sflag:$0x2], $0x40, s29, s15, $0xb8;
	[tilespmem:$0x1E800] =	vst v63  }
0x6e: {  	_ =	swait.ge [sflag:s10], $0x2000  }
0x6f: {  	[sflag:s10] =	ssyncset.done $0x0  }
0x70: {  	s29 =	sadd.s32 $0x6580, s28;
	[sflag:s10] =	ssyncadd.s32 $0xFFFFE000  }
0x71: {  	[spmem:s2] =	stream.indirect.scatter.add.f32 [tilespmem:s18], [sflag:$0x2], $0x40, s29, s15, $0xb8;
	[tilespmem:$0x1E800] =	vst v63  }
0x72: {  	_ =	swait.ge [sflag:s10], $0x2000  }
0x73: {  	[sflag:s10] =	ssyncset.done $0x0  }
0x74: {  	s29 =	sadd.s32 $0x6600, s28;
	[sflag:s10] =	ssyncadd.s32 $0xFFFFE000  }
0x75: {  	[spmem:s2] =	stream.indirect.scatter.add.f32 [tilespmem:s19], [sflag:$0x2], $0x40, s29, s15, $0xb8;
	[tilespmem:$0x1E800] =	vst v63  }
0x76: {  	_ =	swait.ge [sflag:s10], $0x2000  }
0x77: {  	[sflag:s10] =	ssyncset.done $0x0  }
0x78: {  	s29 =	sadd.s32 $0x6680, s28;
	[sflag:s10] =	ssyncadd.s32 $0xFFFFE000  }
0x79: {  	[spmem:s2] =	stream.indirect.scatter.add.f32 [tilespmem:s20], [sflag:$0x2], $0x40, s29, s15, $0xb8;
	[tilespmem:$0x1E800] =	vst v63  }
0x7a: {  	_ =	swait.ge [sflag:s10], $0x2000  }
0x7b: {  	[sflag:s10] =	ssyncset.done $0x0  }
0x7c: {  	s29 =	sadd.s32 $0x6700, s28;
	[sflag:s10] =	ssyncadd.s32 $0xFFFFE000  }
0x7d: {  	[spmem:s2] =	stream.indirect.scatter.add.f32 [tilespmem:s21], [sflag:$0x2], $0x40, s29, s15, $0xb8;
	[tilespmem:$0x1E800] =	vst v63  }
0x7e: {  	_ =	swait.ge [sflag:s10], $0x2000  }
.Ltmp1:
0x7f: {  	[sflag:s10] =	ssyncset.done $0x0;
	(pc) =	sbr.rel @p0 .LBB2_4-.Ltmp1, $4  }
0x80: {  	s28 =	sadd.s32 $0x6780, s28;
	[sflag:s10] =	ssyncadd.s32 $0xFFFFE000  }
0x81: {  	[spmem:s2] =	stream.indirect.scatter.add.f32 [tilespmem:s22], [sflag:$0x2], $0x40, s28, s15, $0xb8;
	[tilespmem:$0x1E800] =	vst v63  }
0x82: {  	_ =	swait.ge [sflag:s10], $0x2000  }
0x83: {  	s29 =	smov.u32 s26;
	[sflag:s10] =	ssyncset.done $0x0  }
0x84: {  	s25 =	sshra.s32 s25, $0x2;
	[sflag:s10] =	ssyncadd.s32 $0xFFFFE000  }
0x85: {  	[tilespmem:s12], [sflag:$0x1] =	stream.indirect.gather [hbm4b:s4+s13], $0x40, s25, s13, $0xb8;
	[tilespmem:$0x1E800] =	vst v63  }
0x86: {  	_ =	swait.ge [sflag:s14], $0x10000  }
0x87: {  	[sflag:s14] =	ssyncset.done $0x0  }
0x88: {  	s26 =	sadd.s32 $0x6400, s25;
	[sflag:s14] =	ssyncadd.s32 $0xFFFF0000  }
0x89: {  	[spmem:s2] =	stream.indirect.scatter.add.f32 [tilespmem:s12], [sflag:$0x2], $0x40, s26, s15, $0xb8;
	[tilespmem:$0x1E800] =	vst v63  }
0x8a: {  	_ =	swait.ge [sflag:s10], $0x2000  }
0x8b: {  	[sflag:s10] =	ssyncset.done $0x0  }
0x8c: {  	s29 =	sadd.s32 $0x6480, s25;
	[sflag:s10] =	ssyncadd.s32 $0xFFFFE000  }
0x8d: {  	[spmem:s2] =	stream.indirect.scatter.add.f32 [tilespmem:s16], [sflag:$0x2], $0x40, s29, s15, $0xb8;
	[tilespmem:$0x1E800] =	vst v63  }
0x8e: {  	_ =	swait.ge [sflag:s10], $0x2000  }
0x8f: {  	[sflag:s10] =	ssyncset.done $0x0  }
0x90: {  	s30 =	sadd.s32 $0x6500, s25;
	[sflag:s10] =	ssyncadd.s32 $0xFFFFE000  }
0x91: {  	[spmem:s2] =	stream.indirect.scatter.add.f32 [tilespmem:s17], [sflag:$0x2], $0x40, s30, s15, $0xb8;
	[tilespmem:$0x1E800] =	vst v63  }
0x92: {  	_ =	swait.ge [sflag:s10], $0x2000  }
0x93: {  	[sflag:s10] =	ssyncset.done $0x0  }
0x94: {  	s31 =	sadd.s32 $0x6580, s25;
	[sflag:s10] =	ssyncadd.s32 $0xFFFFE000  }
0x95: {  	[spmem:s2] =	stream.indirect.scatter.add.f32 [tilespmem:s18], [sflag:$0x2], $0x40, s31, s15, $0xb8;
	[tilespmem:$0x1E800] =	vst v63  }
0x96: {  	_ =	swait.ge [sflag:s10], $0x2000  }
0x97: {  	[sflag:s10] =	ssyncset.done $0x0  }
0x98: {  	s28 =	sadd.s32 $0x6600, s25;
	[sflag:s10] =	ssyncadd.s32 $0xFFFFE000  }
0x99: {  	[spmem:s2] =	stream.indirect.scatter.add.f32 [tilespmem:s19], [sflag:$0x2], $0x40, s28, s15, $0xb8;
	[tilespmem:$0x1E800] =	vst v63  }
0x9a: {  	_ =	swait.ge [sflag:s10], $0x2000  }
0x9b: {  	[sflag:s10] =	ssyncset.done $0x0  }
0x9c: {  	s29 =	sadd.s32 $0x6680, s25;
	[sflag:s10] =	ssyncadd.s32 $0xFFFFE000  }
0x9d: {  	[spmem:s2] =	stream.indirect.scatter.add.f32 [tilespmem:s20], [sflag:$0x2], $0x40, s29, s15, $0xb8;
	[tilespmem:$0x1E800] =	vst v63  }
0x9e: {  	_ =	swait.ge [sflag:s10], $0x2000  }
0x9f: {  	[sflag:s10] =	ssyncset.done $0x0  }
0xa0: {  	s30 =	sadd.s32 $0x6700, s25;
	[sflag:s10] =	ssyncadd.s32 $0xFFFFE000  }
0xa1: {  	[spmem:s2] =	stream.indirect.scatter.add.f32 [tilespmem:s21], [sflag:$0x2], $0x40, s30, s15, $0xb8;
	[tilespmem:$0x1E800] =	vst v63  }
0xa2: {  	_ =	swait.ge [sflag:s10], $0x2000  }
0xa3: {  	[sflag:s10] =	ssyncset.done $0x0  }
0xa4: {  	s25 =	sadd.s32 $0x6780, s25;
	[sflag:s10] =	ssyncadd.s32 $0xFFFFE000  }
0xa5: {  	[spmem:s2] =	stream.indirect.scatter.add.f32 [tilespmem:s22], [sflag:$0x2], $0x40, s25, s15, $0xb8;
	[tilespmem:$0x1E800] =	vst v63  }
0xa6: {  	s24 =	sadd.s32 $0x1, s24;
	_ =	swait.ge [sflag:s10], $0x2000  }
0xa7: {  	p0 =	sne.s32 s24, s9;
	[sflag:s10] =	ssyncset.done $0x0  }
.Ltmp2:
0xa8: {  	s31 =	sshrl.u32 s7, $0x3;
	[sflag:s10] =	ssyncadd.s32 $0xFFFFE000;
	(pc) =	sbr.rel @p0 .LBB2_1-.Ltmp2, $4  }
0xa9: {  	[hbm:s8], [sflag:s23] =	dma.local [spmem:s31], $0x400  }
0xaa: {  	_ =	swait.ge [sflag:s10], $0x400  }
0xab: {  	[sflag:s10] =	ssyncset.done $0x0  }
0xac: {  	[sflag:s10] =	ssyncadd.s32 $0xFFFFFC00  }
0xad: {  	_ =	sfence.sel $0x180000  }
0xae: {  	[bflag:$0x0] =	sbarrier.arrive $0xFFFF  }
0xaf: {  	p0 =	sne.s32 s0, $0x0;
	_ =	strace $0x90000047  }
0xb0: {  	s0 =	sadd.s32 @!p0 $0x100000, s1;
	[bflag:$0x2] =	sbarrier.arrive $0xFFFF  }
0xb1: {  	[sflag:s0] =	ssyncadd.tile.s32 @!p0 $0x1;
	_ =	shalt  }
.Lfunc_end2:
_tile_overlayer_lowered:
.L_overlay_start_2:
0xb2: {  	(tag) =	ssettag $0x2  }
0xb3: {  	s0 =	rddreg [dreg:$0x0];
	s2 =	stileid.u32  }
0xb4: {  	s1 =	rddreg [dreg:$0x1];
	p0 =	sne.s32 s2, $0x0  }
0xb5: {  	s3 =	rddreg [dreg:$0x2];
	[bflag:$0x3] =	sbarrier.arrive $0xFFFF;
	s2 =	simm.s32 @!p0 $0x1C02  }
0xb6: {  	[timem:s3], [sflag:s2] =	dma.local @!p0 [hbm:s0], s1  }
0xb7: {  	s0 =	simm.s32 @!p0 $0x2  }
0xb8: {  	_ =	swait.ge @!p0 [sflag:s0], s1  }
0xb9: {  	s1 =	ssub.s32 @!p0 $0x0, s1;
	[sflag:s0] =	ssyncset.done @!p0 $0x0  }
0xba: {  	[sflag:s0] =	ssyncadd.s32 @!p0 s1  }
0xbb: {  	[bflag:$0x3] =	sbarrier.arrive $0xFFFF  }
0xbc: {  	_ =	shalt  }

</sc_bundles>
